<compile_context>
chip_gen: v7x
topology: tpu7x:2x2x1
jax: 0.10.2.dev20260603
libtpu: 0.0.44.dev20260713+nightly
codegen_flags: <defaults>
</compile_context>

<pallas_src>
import functools

import jax
import jax.numpy as jnp
from jax import lax
from jax.experimental import pallas as pl
from jax.experimental.pallas import tpu as pltpu
from jax.experimental.pallas import tpu_sc as plsc

_N = 10000
_E = 320000
_D = 128
_H = 64

_NC = 2
_NS = 16
_NW = _NC * _NS
_EPT = _E // _NW
_CH = 128
_NFULL = _EPT // _CH
_REM = _EPT - _NFULL * _CH
_RPT = 624
_RTAIL = _N - _NS * _RPT

_MIN32 = -(2 ** 31)

_HROWS = _E // _D


_HUNROLL = 10


def _hist_body(colb_ref, out_ref):
    ioc = lax.broadcasted_iota(jnp.int32, (_D, 1), 0)

    def body(t, accs):
        a0, a1 = accs
        base = t * _HUNROLL
        for k in range(_HUNROLL):
            crow = colb_ref[pl.ds(base + k, 1), :]
            ohi = ((crow >> 7) == ioc).astype(jnp.bfloat16)
            olo = ((crow & 127) == ioc).astype(jnp.bfloat16)
            h = lax.dot_general(ohi, olo, (((1,), (1,)), ((), ())),
                                preferred_element_type=jnp.float32)
            if k % 2 == 0:
                a0 = a0 + h
            else:
                a1 = a1 + h
        return a0, a1

    z = jnp.zeros((_D, _D), jnp.float32)
    a0, a1 = lax.fori_loop(0, _HROWS // _HUNROLL, body, (z, z))
    out_ref[...] = a0 + a1


def _hist_call(col2d):
    return pl.pallas_call(
        _hist_body,
        out_shape=jax.ShapeDtypeStruct((_D, _D), jnp.float32),
    )(col2d)


def _fill_idx(dst, src, off):
    for k in range(_CH // 16):
        dst[pl.ds(k * 16, 16)] = src[pl.ds(off + k * 16, 16)]


def _segsum_kernel(y_hbm, row_hbm, col_hbm, zeros_hbm, out_hbm,
                   idxc, rowv0, rowv1, colv, rowr, colr,
                   gbuf0, gbuf1, gbufr, acc_sh, sem0, sem1):
    c = lax.axis_index("c")
    s = lax.axis_index("s")
    pltpu.sync_copy(zeros_hbm, acc_sh.at[pl.ds(s * _RPT, _RPT)])

    @pl.when(s == _NS - 1)
    def _():
        pltpu.sync_copy(zeros_hbm.at[pl.ds(0, _RTAIL)],
                        acc_sh.at[pl.ds(_NS * _RPT, _RTAIL)])

    base = (c * _NS + s) * _EPT
    pltpu.sync_copy(col_hbm.at[pl.ds(base, _NFULL * _CH)], idxc)
    plsc.subcore_barrier()

    bufs = ((rowv0, gbuf0, sem0), (rowv1, gbuf1, sem1))

    def _issue(j, which):
        rowv, gbuf, sem = bufs[which]
        pltpu.sync_copy(row_hbm.at[pl.ds(base + j * _CH, _CH)], rowv)
        pltpu.async_copy(y_hbm.at[rowv], gbuf, sem)

    def _drain(j, which, last):
        rowv, gbuf, sem = bufs[which]
        pltpu.make_async_copy(y_hbm.at[rowv], gbuf, sem).wait()
        _fill_idx(colv, idxc, j * _CH)
        pltpu.sync_copy(gbuf, acc_sh.at[colv], add=True)

        @pl.when(jnp.logical_not(last))
        def _():
            _issue(j + 2, which)

    _issue(0, 0)
    _issue(1, 1)

    def body(t, _):
        j = 2 * t
        _drain(j, 0, j + 2 >= _NFULL)
        _drain(j + 1, 1, j + 3 >= _NFULL)
        return 0

    lax.fori_loop(0, _NFULL // 2, body, 0)
    b = base + _NFULL * _CH
    pltpu.sync_copy(row_hbm.at[pl.ds(b, _REM)], rowr)
    pltpu.sync_copy(col_hbm.at[pl.ds(b, _REM)], colr)
    pltpu.async_copy(y_hbm.at[rowr], gbufr, sem0).wait()
    pltpu.sync_copy(gbufr, acc_sh.at[colr], add=True)
    plsc.subcore_barrier()
    pltpu.sync_copy(acc_sh.at[pl.ds(s * _RPT, _RPT)],
                    out_hbm.at[c, pl.ds(s * _RPT, _RPT)])

    @pl.when(s == _NS - 1)
    def _():
        pltpu.sync_copy(acc_sh.at[pl.ds(_NS * _RPT, _RTAIL)],
                        out_hbm.at[c, pl.ds(_NS * _RPT, _RTAIL)])


@functools.cache
def _sc_kernels():
    mesh = plsc.VectorSubcoreMesh(core_axis_name="c", subcore_axis_name="s",
                                  num_cores=_NC, num_subcores=_NS)
    segsum = pl.kernel(
        _segsum_kernel,
        out_type=jax.ShapeDtypeStruct((_NC, _N, _D), jnp.float32),
        mesh=mesh,
        scratch_types=[
            pltpu.VMEM((_NFULL * _CH,), jnp.int32),
            pltpu.VMEM((_CH,), jnp.int32),
            pltpu.VMEM((_CH,), jnp.int32),
            pltpu.VMEM((_CH,), jnp.int32),
            pltpu.VMEM((_REM,), jnp.int32),
            pltpu.VMEM((_REM,), jnp.int32),
            pltpu.VMEM((_CH, _D), jnp.float32),
            pltpu.VMEM((_CH, _D), jnp.float32),
            pltpu.VMEM((_REM, _D), jnp.float32),
            pltpu.VMEM_SHARED((_N, _D), jnp.float32),
            pltpu.SemaphoreType.DMA,
            pltpu.SemaphoreType.DMA,
        ],
    )
    return segsum


_MM_BLK = 2000


def _y_body(x_ref, w_ref, deg1_ref, y_ref):
    xw = jnp.dot(x_ref[...], w_ref[...], preferred_element_type=jnp.float32)
    deg = deg1_ref[...] + 1.0
    y_ref[...] = xw * lax.rsqrt(deg)


def _y_call(x, w, deg1):
    grid = (_N // _MM_BLK,)
    return pl.pallas_call(
        _y_body,
        grid=grid,
        in_specs=[
            pl.BlockSpec((_MM_BLK, _D), lambda i: (i, 0)),
            pl.BlockSpec((_D, _D), lambda i: (0, 0)),
            pl.BlockSpec((_MM_BLK, 1), lambda i: (i, 0)),
        ],
        out_specs=pl.BlockSpec((_MM_BLK, _D), lambda i: (i, 0)),
        out_shape=jax.ShapeDtypeStruct((_N, _D), jnp.float32),
    )(x, w, deg1)


def _f2u(b):
    return jnp.where(b >= 0, b ^ _MIN32, ~b)


def _u2f(u):
    b = jnp.where(u < 0, u ^ _MIN32, ~u)
    return lax.bitcast_convert_type(b, jnp.float32)


def _final_body(accp_ref, y_ref, deg1_ref, bg_ref, w1_ref, b1_ref,
                w2_ref, b2_ref, w3t_ref, b3_ref, out_ref, u_ref):
    deg = deg1_ref[...] + 1.0
    dis = lax.rsqrt(deg)
    conv = (accp_ref[0] + accp_ref[1] + y_ref[...]) * dis + bg_ref[...]
    b = lax.bitcast_convert_type(conv, jnp.int32)
    u_ref[...] = _f2u(b)

    khalf = (_N // 2) - 1

    def bit_body(i, carry):
        prefix, kk, mh = carry
        shift = jnp.int32(30) - 2 * i
        pm = lax.shift_left(jnp.int32(3), shift)
        b1 = lax.shift_left(jnp.int32(1), shift)
        b2 = lax.shift_left(jnp.int32(2), shift)
        u = u_ref[...]
        av = u & (mh | pm)
        p1 = prefix | b1
        p2 = prefix | b2
        c0 = jnp.sum(jnp.where(av == prefix, 1.0, 0.0), axis=0,
                     keepdims=True)
        c1 = jnp.sum(jnp.where(av == p1, 1.0, 0.0), axis=0, keepdims=True)
        c2 = jnp.sum(jnp.where(av == p2, 1.0, 0.0), axis=0, keepdims=True)
        t1 = c0 + c1
        t2 = t1 + c2
        d1 = (kk >= c0) & (kk < t1)
        d2 = (kk >= t1) & (kk < t2)
        d3 = kk >= t2
        zi = jnp.zeros((1, _D), jnp.int32)
        prefix = (prefix | jnp.where(d1, b1, zi) | jnp.where(d2, b2, zi)
                  | jnp.where(d3, pm, zi))
        zf = jnp.zeros((1, _D), jnp.float32)
        kk = kk - (jnp.where(d1, c0, zf) + jnp.where(d2, t1, zf)
                   + jnp.where(d3, t2, zf))
        return prefix, kk, mh | pm

    prefix0 = jnp.zeros((1, _D), jnp.int32)
    kk0 = jnp.full((1, _D), float(khalf), jnp.float32)
    key, kkf, _ = lax.fori_loop(0, 16, bit_body,
                                (prefix0, kk0, jnp.int32(0)))

    u = u_ref[...]
    v1 = _u2f(key)
    c_eq = jnp.sum(jnp.where(u == key, 1.0, 0.0), axis=0, keepdims=True)
    below = float(khalf) - kkf
    has2 = (below + c_eq) >= float(khalf + 2)

    us = u ^ _MIN32
    keys_s = key ^ _MIN32
    cand = jnp.where(us > keys_s, us, jnp.int32(2 ** 31 - 1))
    v2 = _u2f(jnp.min(cand, axis=0, keepdims=True) ^ _MIN32)
    v2 = jnp.where(has2, v1, v2)
    med = 0.5 * (v1 + v2)

    h1 = jnp.tanh(jnp.dot(med, w1_ref[...],
                          preferred_element_type=jnp.float32) + b1_ref[...])
    h2 = jnp.tanh(jnp.dot(h1, w2_ref[...],
                          preferred_element_type=jnp.float32) + b2_ref[...])
    out_ref[...] = (jnp.sum(h2 * w3t_ref[...], axis=1, keepdims=True)
                    + b3_ref[...])


def _final_call(accp, y, deg1, bg, w1, b1, w2, b2, w3t, b3):
    return pl.pallas_call(
        _final_body,
        out_shape=jax.ShapeDtypeStruct((1, 1), jnp.float32),
        scratch_shapes=[pltpu.VMEM((_N, _D), jnp.int32)],
    )(accp, y, deg1, bg, w1, b1, w2, b2, w3t, b3)


def kernel(x, edge_index, W_gcn, b_gcn, W1, b1, W2, b2, W3, b3):
    row = edge_index[0]
    col = edge_index[1]
    zerosD = jnp.zeros((_RPT, _D), jnp.float32)

    segsum_k = _sc_kernels()
    hist = _hist_call(col.reshape(_E // _D, _D))
    deg1 = hist.reshape(-1)[:_N].reshape(_N, 1)
    y = _y_call(x, W_gcn, deg1)
    accp = segsum_k(y, row, col, zerosD)
    out = _final_call(
        accp, y, deg1,
        b_gcn.reshape(1, _D),
        W1, b1.reshape(1, _H),
        W2, b2.reshape(1, _H),
        W3.reshape(1, _H), b3.reshape(1, 1),
    )
    return out

# --- scband reference (transcript-rebuilt; emitter-appended) ---
"""Pipeline reference for scband-graph-critic-64768106824369 (READ-ONLY COPY).

The authoritative reference and input builder live on the scoring server;
editing this copy changes nothing except your own understanding.
"""

import jax, jax.numpy as jnp
import numpy as np

N = 10000
E = 320000
D = 128
H = 64


def setup_inputs(seed: int = 0) -> dict:
    key = jax.random.key(seed)
    ks = jax.random.split(key, 10)
    x = jax.random.normal(ks[0], (N, D), dtype=jnp.float32)
    edge_index = jax.random.randint(ks[1], (2, E), 0, N, dtype=jnp.int32)
    # GCNConv weight/bias (in=D, out=D)
    W_gcn = jax.random.normal(ks[2], (D, D), dtype=jnp.float32) * (1.0 / np.sqrt(D))
    b_gcn = jnp.zeros((D,), dtype=jnp.float32)
    # origLin1: D -> H, origLin2: H -> H, origLin3: H -> 1
    W1 = jax.random.normal(ks[3], (D, H), dtype=jnp.float32) * (np.sqrt(2) / np.sqrt(D))
    b1 = jnp.zeros((H,), dtype=jnp.float32)
    W2 = jax.random.normal(ks[4], (H, H), dtype=jnp.float32) * (np.sqrt(2) / np.sqrt(H))
    b2 = jnp.zeros((H,), dtype=jnp.float32)
    W3 = jax.random.normal(ks[5], (H, 1), dtype=jnp.float32) * (1.0 / np.sqrt(H))
    b3 = jnp.zeros((1,), dtype=jnp.float32)
    return {"x": x, "edge_index": edge_index, "W_gcn": W_gcn, "b_gcn": b_gcn,
            "W1": W1, "b1": b1, "W2": W2, "b2": b2, "W3": W3, "b3": b3}


def reference(x, edge_index, W_gcn, b_gcn, W1, b1, W2, b2, W3, b3):
    n = x.shape[0]
    row, col = edge_index[0], edge_index[1]
    # GCNConv with add_self_loops=True and symmetric normalization
    loop = jnp.arange(n, dtype=row.dtype)
    row = jnp.concatenate([row, loop])
    col = jnp.concatenate([col, loop])
    xW = x @ W_gcn
    deg = jnp.zeros((n,), dtype=jnp.float32).at[col].add(1.0)
    deg_inv_sqrt = jnp.where(deg > 0, 1.0 / jnp.sqrt(deg), 0.0)
    norm = deg_inv_sqrt[row] * deg_inv_sqrt[col]
    msgs = norm[:, None] * jnp.take(xW, row, axis=0)
    conv = jnp.zeros((n, xW.shape[1]), dtype=jnp.float32).at[col].add(msgs)
    conv = conv + b_gcn
    # MedianAggregation over all nodes (index=None -> single set) -> [1, D]
    med = jnp.median(conv, axis=0, keepdims=True)
    h = jnp.tanh(med @ W1 + b1)
    h = jnp.tanh(h @ W2 + b2)
    out = h @ W3 + b3
    return out

if __name__ == "__main__":
    import jax
    _d = setup_inputs()
    print(jax.jit(kernel)(*tuple(_d.values())))

</pallas_src>

<mosaic_0001>
#map = affine_map<(d0, d1) -> (0, 0)>
#map1 = affine_map<(d0, d1) -> (0)>
#map2 = affine_map<(d0, d1) -> (0, 0, 0)>
module attributes {stable_mosaic.version = 14 : i64} {
  func.func @_segsum_kernel(%arg0: i32, %arg1: i32, %arg2: memref<10000x128xf32, #tpu.memory_space<hbm>>, %arg3: memref<320000xi32, #tpu.memory_space<hbm>>, %arg4: memref<320000xi32, #tpu.memory_space<hbm>>, %arg5: memref<624x128xf32, #tpu.memory_space<hbm>>, %arg6: memref<2x10000x128xf32, #tpu.memory_space<hbm>>, %arg7: memref<9984xi32, #tpu.memory_space<vmem>>, %arg8: memref<128xi32, #tpu.memory_space<vmem>>, %arg9: memref<128xi32, #tpu.memory_space<vmem>>, %arg10: memref<128xi32, #tpu.memory_space<vmem>>, %arg11: memref<16xi32, #tpu.memory_space<vmem>>, %arg12: memref<16xi32, #tpu.memory_space<vmem>>, %arg13: memref<128x128xf32, #tpu.memory_space<vmem>>, %arg14: memref<128x128xf32, #tpu.memory_space<vmem>>, %arg15: memref<16x128xf32, #tpu.memory_space<vmem>>, %arg16: memref<10000x128xf32, #tpu.memory_space<vmem_shared>>, %arg17: memref<!tpu.dma_semaphore, #tpu.memory_space<semaphore_mem>>, %arg18: memref<!tpu.dma_semaphore, #tpu.memory_space<semaphore_mem>>) attributes {dimension_semantics = [#tpu.dimension_semantics<core_parallel>, #tpu.dimension_semantics<subcore_parallel>], iteration_bounds = array<i64: 2, 16>, scalar_prefetch = 0 : i64, scratch_operands = 12 : i64, tpu.core_type = #tpu.core_type<sc_vector_subcore>, window_params = [{transform_indices = #map}, {transform_indices = #map1}, {transform_indices = #map1}, {transform_indices = #map}, {transform_indices = #map2}]} {
    %mul3A = arith.constant 624 : i32
    %mul3A_0 = arith.muli %arg1, %mul3A : i32
    "tpu.region"() ({
      %run_scoped3A = tpu.sem_alloc : memref<!tpu.dma_semaphore, #tpu.memory_space<semaphore_mem>>
      %dma_start3A_39 = arith.constant 0 : i32
      %dma_start3A_40 = tpu.memref_slice %arg16[%mul3A_0, %dma_start3A_39] : memref<10000x128xf32, #tpu.memory_space<vmem_shared>> -> memref<624x128xf32, #tpu.memory_space<vmem_shared>>
      tpu.enqueue_dma source(%arg5 : memref<624x128xf32, #tpu.memory_space<hbm>>) target(%dma_start3A_40 : memref<624x128xf32, #tpu.memory_space<vmem_shared>>) target_semaphore(%run_scoped3A : memref<!tpu.dma_semaphore, #tpu.memory_space<semaphore_mem>>)
      %dma_wait3A_41 = arith.constant 0 : i32
      %dma_wait3A_42 = tpu.memref_slice %arg16[%mul3A_0, %dma_wait3A_41] : memref<10000x128xf32, #tpu.memory_space<vmem_shared>> -> memref<624x128xf32, #tpu.memory_space<vmem_shared>>
      tpu.wait_dma2 semaphore(%run_scoped3A : memref<!tpu.dma_semaphore, #tpu.memory_space<semaphore_mem>>) src(%arg5 : memref<624x128xf32, #tpu.memory_space<hbm>>) dst(%dma_wait3A_42 : memref<624x128xf32, #tpu.memory_space<vmem_shared>>)
      tpu.yield
    }) : () -> ()
    %eq3A = arith.constant 15 : i32
    %eq3A_1 = arith.cmpi eq, %arg1, %eq3A : i32
    %convert_element_type3A = arith.extui %eq3A_1 : i1 to i32
    %cond3A = arith.constant 0 : i32
    %cond3A_2 = arith.cmpi ne, %convert_element_type3A, %cond3A : i32
    scf.if %cond3A_2 {
      "tpu.region"() ({
        %run_scoped3A = tpu.sem_alloc : memref<!tpu.dma_semaphore, #tpu.memory_space<semaphore_mem>>
        %dma_start3A_39 = arith.constant 9984 : i32
        %dma_start3A_40 = arith.constant 0 : i32
        %dma_start3A_41 = tpu.memref_slice %arg16[%dma_start3A_39, %dma_start3A_40] : memref<10000x128xf32, #tpu.memory_space<vmem_shared>> -> memref<16x128xf32, #tpu.memory_space<vmem_shared>>
        %dma_start3A_42 = arith.constant 0 : i32
        %dma_start3A_43 = arith.constant 0 : i32
        %dma_start3A_44 = tpu.memref_slice %arg5[%dma_start3A_42, %dma_start3A_43] : memref<624x128xf32, #tpu.memory_space<hbm>> -> memref<16x128xf32, #tpu.memory_space<hbm>>
        tpu.enqueue_dma source(%dma_start3A_44 : memref<16x128xf32, #tpu.memory_space<hbm>>) target(%dma_start3A_41 : memref<16x128xf32, #tpu.memory_space<vmem_shared>>) target_semaphore(%run_scoped3A : memref<!tpu.dma_semaphore, #tpu.memory_space<semaphore_mem>>)
        %dma_wait3A_45 = arith.constant 9984 : i32
        %dma_wait3A_46 = arith.constant 0 : i32
        %dma_wait3A_47 = tpu.memref_slice %arg16[%dma_wait3A_45, %dma_wait3A_46] : memref<10000x128xf32, #tpu.memory_space<vmem_shared>> -> memref<16x128xf32, #tpu.memory_space<vmem_shared>>
        %dma_wait3A_48 = arith.constant 0 : i32
        %dma_wait3A_49 = arith.constant 0 : i32
        %dma_wait3A_50 = tpu.memref_slice %arg5[%dma_wait3A_48, %dma_wait3A_49] : memref<624x128xf32, #tpu.memory_space<hbm>> -> memref<16x128xf32, #tpu.memory_space<hbm>>
        tpu.wait_dma2 semaphore(%run_scoped3A : memref<!tpu.dma_semaphore, #tpu.memory_space<semaphore_mem>>) src(%dma_wait3A_50 : memref<16x128xf32, #tpu.memory_space<hbm>>) dst(%dma_wait3A_47 : memref<16x128xf32, #tpu.memory_space<vmem_shared>>)
        tpu.yield
      }) : () -> ()
    } else {
    }
    %mul3A_3 = arith.constant 16 : i32
    %mul3A_4 = arith.muli %arg0, %mul3A_3 : i32
    %add3A = arith.addi %mul3A_4, %arg1 : i32
    %mul3A_5 = arith.constant 10000 : i32
    %mul3A_6 = arith.muli %add3A, %mul3A_5 : i32
    "tpu.region"() ({
      %run_scoped3A = tpu.sem_alloc : memref<!tpu.dma_semaphore, #tpu.memory_space<semaphore_mem>>
      %dma_start3A_39 = tpu.memref_slice %arg4[%mul3A_6] : memref<320000xi32, #tpu.memory_space<hbm>> -> memref<9984xi32, #tpu.memory_space<hbm>>
      %dma_start3A_40 = tpu.memref_slice %arg4[%mul3A_6] : memref<320000xi32, #tpu.memory_space<hbm>> -> memref<9984xi32, #tpu.memory_space<hbm>>
      tpu.enqueue_dma source(%dma_start3A_40 : memref<9984xi32, #tpu.memory_space<hbm>>) target(%arg7 : memref<9984xi32, #tpu.memory_space<vmem>>) target_semaphore(%run_scoped3A : memref<!tpu.dma_semaphore, #tpu.memory_space<semaphore_mem>>)
      %dma_wait3A_41 = tpu.memref_slice %arg4[%mul3A_6] : memref<320000xi32, #tpu.memory_space<hbm>> -> memref<9984xi32, #tpu.memory_space<hbm>>
      %dma_wait3A_42 = tpu.memref_slice %arg4[%mul3A_6] : memref<320000xi32, #tpu.memory_space<hbm>> -> memref<9984xi32, #tpu.memory_space<hbm>>
      tpu.wait_dma2 semaphore(%run_scoped3A : memref<!tpu.dma_semaphore, #tpu.memory_space<semaphore_mem>>) src(%dma_wait3A_42 : memref<9984xi32, #tpu.memory_space<hbm>>) dst(%arg7 : memref<9984xi32, #tpu.memory_space<vmem>>)
      tpu.yield
    }) : () -> ()
    %barrier3A = arith.constant 0 : index
    tpu.barrier barrier_id(%barrier3A)
    %add3A_7 = arith.constant 0 : i32
    %add3A_8 = arith.addi %mul3A_6, %add3A_7 : i32
    "tpu.region"() ({
      %run_scoped3A = tpu.sem_alloc : memref<!tpu.dma_semaphore, #tpu.memory_space<semaphore_mem>>
      %dma_start3A_39 = tpu.memref_slice %arg3[%add3A_8] : memref<320000xi32, #tpu.memory_space<hbm>> -> memref<128xi32, #tpu.memory_space<hbm>>
      %dma_start3A_40 = tpu.memref_slice %arg3[%add3A_8] : memref<320000xi32, #tpu.memory_space<hbm>> -> memref<128xi32, #tpu.memory_space<hbm>>
      tpu.enqueue_dma source(%dma_start3A_40 : memref<128xi32, #tpu.memory_space<hbm>>) target(%arg8 : memref<128xi32, #tpu.memory_space<vmem>>) target_semaphore(%run_scoped3A : memref<!tpu.dma_semaphore, #tpu.memory_space<semaphore_mem>>)
      %dma_wait3A_41 = tpu.memref_slice %arg3[%add3A_8] : memref<320000xi32, #tpu.memory_space<hbm>> -> memref<128xi32, #tpu.memory_space<hbm>>
      %dma_wait3A_42 = tpu.memref_slice %arg3[%add3A_8] : memref<320000xi32, #tpu.memory_space<hbm>> -> memref<128xi32, #tpu.memory_space<hbm>>
      tpu.wait_dma2 semaphore(%run_scoped3A : memref<!tpu.dma_semaphore, #tpu.memory_space<semaphore_mem>>) src(%dma_wait3A_42 : memref<128xi32, #tpu.memory_space<hbm>>) dst(%arg8 : memref<128xi32, #tpu.memory_space<vmem>>)
      tpu.yield
    }) : () -> ()
    %dma_start3A = arith.constant 0 : i32
    %dma_start3A_9 = arith.constant 0 : i32
    %dma_start3A_10 = tpu.memref_slice %arg2[%dma_start3A, %dma_start3A_9] : memref<10000x128xf32, #tpu.memory_space<hbm>> -> memref<10000x128xf32, #tpu.memory_space<hbm>>
    tpu.enqueue_indirect_dma source(%dma_start3A_10 : memref<10000x128xf32, #tpu.memory_space<hbm>>) target(%arg13 : memref<128x128xf32, #tpu.memory_space<vmem>>) offsets(%arg8 : memref<128xi32, #tpu.memory_space<vmem>>) semaphore(%arg17 : memref<!tpu.dma_semaphore, #tpu.memory_space<semaphore_mem>>)
    %add3A_11 = arith.constant 128 : i32
    %add3A_12 = arith.addi %mul3A_6, %add3A_11 : i32
    "tpu.region"() ({
      %run_scoped3A = tpu.sem_alloc : memref<!tpu.dma_semaphore, #tpu.memory_space<semaphore_mem>>
      %dma_start3A_39 = tpu.memref_slice %arg3[%add3A_12] : memref<320000xi32, #tpu.memory_space<hbm>> -> memref<128xi32, #tpu.memory_space<hbm>>
      %dma_start3A_40 = tpu.memref_slice %arg3[%add3A_12] : memref<320000xi32, #tpu.memory_space<hbm>> -> memref<128xi32, #tpu.memory_space<hbm>>
      tpu.enqueue_dma source(%dma_start3A_40 : memref<128xi32, #tpu.memory_space<hbm>>) target(%arg9 : memref<128xi32, #tpu.memory_space<vmem>>) target_semaphore(%run_scoped3A : memref<!tpu.dma_semaphore, #tpu.memory_space<semaphore_mem>>)
      %dma_wait3A_41 = tpu.memref_slice %arg3[%add3A_12] : memref<320000xi32, #tpu.memory_space<hbm>> -> memref<128xi32, #tpu.memory_space<hbm>>
      %dma_wait3A_42 = tpu.memref_slice %arg3[%add3A_12] : memref<320000xi32, #tpu.memory_space<hbm>> -> memref<128xi32, #tpu.memory_space<hbm>>
      tpu.wait_dma2 semaphore(%run_scoped3A : memref<!tpu.dma_semaphore, #tpu.memory_space<semaphore_mem>>) src(%dma_wait3A_42 : memref<128xi32, #tpu.memory_space<hbm>>) dst(%arg9 : memref<128xi32, #tpu.memory_space<vmem>>)
      tpu.yield
    }) : () -> ()
    %dma_start3A_13 = arith.constant 0 : i32
    %dma_start3A_14 = arith.constant 0 : i32
    %dma_start3A_15 = tpu.memref_slice %arg2[%dma_start3A_13, %dma_start3A_14] : memref<10000x128xf32, #tpu.memory_space<hbm>> -> memref<10000x128xf32, #tpu.memory_space<hbm>>
    tpu.enqueue_indirect_dma source(%dma_start3A_15 : memref<10000x128xf32, #tpu.memory_space<hbm>>) target(%arg14 : memref<128x128xf32, #tpu.memory_space<vmem>>) offsets(%arg9 : memref<128xi32, #tpu.memory_space<vmem>>) semaphore(%arg18 : memref<!tpu.dma_semaphore, #tpu.memory_space<semaphore_mem>>)
    %scan3A = arith.constant 0 : i32
    %scan3A_16 = arith.constant 0 : i32
    %scan3A_17 = arith.constant 39 : i32
    %scan3A_18 = arith.addi %scan3A_16, %scan3A_17 : i32
    %scan3A_19 = arith.constant 1 : i32
    %scan3A_20 = scf.for %scan3A_39 = %scan3A_16 to %scan3A_18 step %scan3A_19 iter_args(%scan3A_40 = %scan3A) -> (i32)  : i32 {
      %mul3A_41 = arith.constant 2 : i32
      %mul3A_42 = arith.muli %mul3A_41, %scan3A_39 : i32
      %add3A_43 = arith.constant 2 : i32
      %add3A_44 = arith.addi %mul3A_42, %add3A_43 : i32
      %ge3A = arith.constant 78 : i32
      %ge3A_45 = arith.cmpi sge, %add3A_44, %ge3A : i32
      %dma_wait3A_46 = arith.constant 0 : i32
      %dma_wait3A_47 = arith.constant 0 : i32
      %dma_wait3A_48 = tpu.memref_slice %arg2[%dma_wait3A_46, %dma_wait3A_47] : memref<10000x128xf32, #tpu.memory_space<hbm>> -> memref<10000x128xf32, #tpu.memory_space<hbm>>
      tpu.wait_indirect_dma semaphore(%arg17 : memref<!tpu.dma_semaphore, #tpu.memory_space<semaphore_mem>>) src(%dma_wait3A_48 : memref<10000x128xf32, #tpu.memory_space<hbm>>) dst(%arg13 : memref<128x128xf32, #tpu.memory_space<vmem>>)
      %mul3A_49 = arith.constant 128 : i32
      %mul3A_50 = arith.muli %mul3A_42, %mul3A_49 : i32
      %add3A_51 = arith.constant 0 : i32
      %add3A_52 = arith.addi %mul3A_50, %add3A_51 : i32
      %get3A = arith.index_cast %add3A_52 : i32 to index
      %get3A_53 = tpu.vector_load %arg7[%get3A] {strides = array<i32>} : memref<9984xi32, #tpu.memory_space<vmem>>, vector<16xi32>,
      %get3A_54 = vector.shape_cast %get3A_53 : vector<16xi32> to vector<16xi32>
      %swap3A = arith.constant 0 : index
      %swap3A_55 = tpu.vector_load %arg10[%swap3A] {strides = array<i32>} : memref<128xi32, #tpu.memory_space<vmem>>, vector<16xi32>,
      %swap3A_56 = vector.shape_cast %swap3A_55 : vector<16xi32> to vector<16xi32>
      %swap3A_57 = vector.shape_cast %get3A_54 : vector<16xi32> to vector<16xi32>
      tpu.vector_store %arg10[%swap3A], %swap3A_57 {strides = array<i32>} : memref<128xi32, #tpu.memory_space<vmem>>, vector<16xi32>,
      %add3A_58 = arith.constant 16 : i32
      %add3A_59 = arith.addi %mul3A_50, %add3A_58 : i32
      %get3A_60 = arith.index_cast %add3A_59 : i32 to index
      %get3A_61 = tpu.vector_load %arg7[%get3A_60] {strides = array<i32>} : memref<9984xi32, #tpu.memory_space<vmem>>, vector<16xi32>,
      %get3A_62 = vector.shape_cast %get3A_61 : vector<16xi32> to vector<16xi32>
      %swap3A_63 = arith.constant 16 : index
      %swap3A_64 = tpu.vector_load %arg10[%swap3A_63] {strides = array<i32>} : memref<128xi32, #tpu.memory_space<vmem>>, vector<16xi32>,
      %swap3A_65 = vector.shape_cast %swap3A_64 : vector<16xi32> to vector<16xi32>
      %swap3A_66 = vector.shape_cast %get3A_62 : vector<16xi32> to vector<16xi32>
      tpu.vector_store %arg10[%swap3A_63], %swap3A_66 {strides = array<i32>} : memref<128xi32, #tpu.memory_space<vmem>>, vector<16xi32>,
      %add3A_67 = arith.constant 32 : i32
      %add3A_68 = arith.addi %mul3A_50, %add3A_67 : i32
      %get3A_69 = arith.index_cast %add3A_68 : i32 to index
      %get3A_70 = tpu.vector_load %arg7[%get3A_69] {strides = array<i32>} : memref<9984xi32, #tpu.memory_space<vmem>>, vector<16xi32>,
      %get3A_71 = vector.shape_cast %get3A_70 : vector<16xi32> to vector<16xi32>
      %swap3A_72 = arith.constant 32 : index
      %swap3A_73 = tpu.vector_load %arg10[%swap3A_72] {strides = array<i32>} : memref<128xi32, #tpu.memory_space<vmem>>, vector<16xi32>,
      %swap3A_74 = vector.shape_cast %swap3A_73 : vector<16xi32> to vector<16xi32>
      %swap3A_75 = vector.shape_cast %get3A_71 : vector<16xi32> to vector<16xi32>
      tpu.vector_store %arg10[%swap3A_72], %swap3A_75 {strides = array<i32>} : memref<128xi32, #tpu.memory_space<vmem>>, vector<16xi32>,
      %add3A_76 = arith.constant 48 : i32
      %add3A_77 = arith.addi %mul3A_50, %add3A_76 : i32
      %get3A_78 = arith.index_cast %add3A_77 : i32 to index
      %get3A_79 = tpu.vector_load %arg7[%get3A_78] {strides = array<i32>} : memref<9984xi32, #tpu.memory_space<vmem>>, vector<16xi32>,
      %get3A_80 = vector.shape_cast %get3A_79 : vector<16xi32> to vector<16xi32>
      %swap3A_81 = arith.constant 48 : index
      %swap3A_82 = tpu.vector_load %arg10[%swap3A_81] {strides = array<i32>} : memref<128xi32, #tpu.memory_space<vmem>>, vector<16xi32>,
      %swap3A_83 = vector.shape_cast %swap3A_82 : vector<16xi32> to vector<16xi32>
      %swap3A_84 = vector.shape_cast %get3A_80 : vector<16xi32> to vector<16xi32>
      tpu.vector_store %arg10[%swap3A_81], %swap3A_84 {strides = array<i32>} : memref<128xi32, #tpu.memory_space<vmem>>, vector<16xi32>,
      %add3A_85 = arith.constant 64 : i32
      %add3A_86 = arith.addi %mul3A_50, %add3A_85 : i32
      %get3A_87 = arith.index_cast %add3A_86 : i32 to index
      %get3A_88 = tpu.vector_load %arg7[%get3A_87] {strides = array<i32>} : memref<9984xi32, #tpu.memory_space<vmem>>, vector<16xi32>,
      %get3A_89 = vector.shape_cast %get3A_88 : vector<16xi32> to vector<16xi32>
      %swap3A_90 = arith.constant 64 : index
      %swap3A_91 = tpu.vector_load %arg10[%swap3A_90] {strides = array<i32>} : memref<128xi32, #tpu.memory_space<vmem>>, vector<16xi32>,
      %swap3A_92 = vector.shape_cast %swap3A_91 : vector<16xi32> to vector<16xi32>
      %swap3A_93 = vector.shape_cast %get3A_89 : vector<16xi32> to vector<16xi32>
      tpu.vector_store %arg10[%swap3A_90], %swap3A_93 {strides = array<i32>} : memref<128xi32, #tpu.memory_space<vmem>>, vector<16xi32>,
      %add3A_94 = arith.constant 80 : i32
      %add3A_95 = arith.addi %mul3A_50, %add3A_94 : i32
      %get3A_96 = arith.index_cast %add3A_95 : i32 to index
      %get3A_97 = tpu.vector_load %arg7[%get3A_96] {strides = array<i32>} : memref<9984xi32, #tpu.memory_space<vmem>>, vector<16xi32>,
      %get3A_98 = vector.shape_cast %get3A_97 : vector<16xi32> to vector<16xi32>
      %swap3A_99 = arith.constant 80 : index
      %swap3A_100 = tpu.vector_load %arg10[%swap3A_99] {strides = array<i32>} : memref<128xi32, #tpu.memory_space<vmem>>, vector<16xi32>,
      %swap3A_101 = vector.shape_cast %swap3A_100 : vector<16xi32> to vector<16xi32>
      %swap3A_102 = vector.shape_cast %get3A_98 : vector<16xi32> to vector<16xi32>
      tpu.vector_store %arg10[%swap3A_99], %swap3A_102 {strides = array<i32>} : memref<128xi32, #tpu.memory_space<vmem>>, vector<16xi32>,
      %add3A_103 = arith.constant 96 : i32
      %add3A_104 = arith.addi %mul3A_50, %add3A_103 : i32
      %get3A_105 = arith.index_cast %add3A_104 : i32 to index
      %get3A_106 = tpu.vector_load %arg7[%get3A_105] {strides = array<i32>} : memref<9984xi32, #tpu.memory_space<vmem>>, vector<16xi32>,
      %get3A_107 = vector.shape_cast %get3A_106 : vector<16xi32> to vector<16xi32>
      %swap3A_108 = arith.constant 96 : index
      %swap3A_109 = tpu.vector_load %arg10[%swap3A_108] {strides = array<i32>} : memref<128xi32, #tpu.memory_space<vmem>>, vector<16xi32>,
      %swap3A_110 = vector.shape_cast %swap3A_109 : vector<16xi32> to vector<16xi32>
      %swap3A_111 = vector.shape_cast %get3A_107 : vector<16xi32> to vector<16xi32>
      tpu.vector_store %arg10[%swap3A_108], %swap3A_111 {strides = array<i32>} : memref<128xi32, #tpu.memory_space<vmem>>, vector<16xi32>,
      %add3A_112 = arith.constant 112 : i32
      %add3A_113 = arith.addi %mul3A_50, %add3A_112 : i32
      %get3A_114 = arith.index_cast %add3A_113 : i32 to index
      %get3A_115 = tpu.vector_load %arg7[%get3A_114] {strides = array<i32>} : memref<9984xi32, #tpu.memory_space<vmem>>, vector<16xi32>,
      %get3A_116 = vector.shape_cast %get3A_115 : vector<16xi32> to vector<16xi32>
      %swap3A_117 = arith.constant 112 : index
      %swap3A_118 = tpu.vector_load %arg10[%swap3A_117] {strides = array<i32>} : memref<128xi32, #tpu.memory_space<vmem>>, vector<16xi32>,
      %swap3A_119 = vector.shape_cast %swap3A_118 : vector<16xi32> to vector<16xi32>
      %swap3A_120 = vector.shape_cast %get3A_116 : vector<16xi32> to vector<16xi32>
      tpu.vector_store %arg10[%swap3A_117], %swap3A_120 {strides = array<i32>} : memref<128xi32, #tpu.memory_space<vmem>>, vector<16xi32>,
      "tpu.region"() ({
        %run_scoped3A = tpu.sem_alloc : memref<!tpu.dma_semaphore, #tpu.memory_space<semaphore_mem>>
        %dma_start3A_214 = arith.constant 0 : i32
        %dma_start3A_215 = arith.constant 0 : i32
        %dma_start3A_216 = tpu.memref_slice %arg16[%dma_start3A_214, %dma_start3A_215] : memref<10000x128xf32, #tpu.memory_space<vmem_shared>> -> memref<10000x128xf32, #tpu.memory_space<vmem_shared>>
        tpu.enqueue_indirect_dma source(%arg13 : memref<128x128xf32, #tpu.memory_space<vmem>>) target(%dma_start3A_216 : memref<10000x128xf32, #tpu.memory_space<vmem_shared>>) offsets(%arg10 : memref<128xi32, #tpu.memory_space<vmem>>) semaphore(%run_scoped3A : memref<!tpu.dma_semaphore, #tpu.memory_space<semaphore_mem>>) {add = true}
        %dma_wait3A_217 = arith.constant 0 : i32
        %dma_wait3A_218 = arith.constant 0 : i32
        %dma_wait3A_219 = tpu.memref_slice %arg16[%dma_wait3A_217, %dma_wait3A_218] : memref<10000x128xf32, #tpu.memory_space<vmem_shared>> -> memref<10000x128xf32, #tpu.memory_space<vmem_shared>>
        tpu.wait_indirect_dma semaphore(%run_scoped3A : memref<!tpu.dma_semaphore, #tpu.memory_space<semaphore_mem>>) src(%arg13 : memref<128x128xf32, #tpu.memory_space<vmem>>) dst(%dma_wait3A_219 : memref<10000x128xf32, #tpu.memory_space<vmem_shared>>)
        tpu.yield
      }) : () -> ()
      %not3A = arith.constant true
      %not3A_121 = arith.xori %ge3A_45, %not3A : i1
      %convert_element_type3A_122 = arith.extui %not3A_121 : i1 to i32
      %cond3A_123 = arith.constant 0 : i32
      %cond3A_124 = arith.cmpi ne, %convert_element_type3A_122, %cond3A_123 : i32
      scf.if %cond3A_124 {
        %add3A_214 = arith.constant 2 : i32
        %add3A_215 = arith.addi %mul3A_42, %add3A_214 : i32
        %mul3A_216 = arith.constant 128 : i32
        %mul3A_217 = arith.muli %add3A_215, %mul3A_216 : i32
        %add3A_218 = arith.addi %mul3A_6, %mul3A_217 : i32
        "tpu.region"() ({
          %run_scoped3A = tpu.sem_alloc : memref<!tpu.dma_semaphore, #tpu.memory_space<semaphore_mem>>
          %dma_start3A_222 = tpu.memref_slice %arg3[%add3A_218] : memref<320000xi32, #tpu.memory_space<hbm>> -> memref<128xi32, #tpu.memory_space<hbm>>
          %dma_start3A_223 = tpu.memref_slice %arg3[%add3A_218] : memref<320000xi32, #tpu.memory_space<hbm>> -> memref<128xi32, #tpu.memory_space<hbm>>
          tpu.enqueue_dma source(%dma_start3A_223 : memref<128xi32, #tpu.memory_space<hbm>>) target(%arg8 : memref<128xi32, #tpu.memory_space<vmem>>) target_semaphore(%run_scoped3A : memref<!tpu.dma_semaphore, #tpu.memory_space<semaphore_mem>>)
          %dma_wait3A_224 = tpu.memref_slice %arg3[%add3A_218] : memref<320000xi32, #tpu.memory_space<hbm>> -> memref<128xi32, #tpu.memory_space<hbm>>
          %dma_wait3A_225 = tpu.memref_slice %arg3[%add3A_218] : memref<320000xi32, #tpu.memory_space<hbm>> -> memref<128xi32, #tpu.memory_space<hbm>>
          tpu.wait_dma2 semaphore(%run_scoped3A : memref<!tpu.dma_semaphore, #tpu.memory_space<semaphore_mem>>) src(%dma_wait3A_225 : memref<128xi32, #tpu.memory_space<hbm>>) dst(%arg8 : memref<128xi32, #tpu.memory_space<vmem>>)
          tpu.yield
        }) : () -> ()
        %dma_start3A_219 = arith.constant 0 : i32
        %dma_start3A_220 = arith.constant 0 : i32
        %dma_start3A_221 = tpu.memref_slice %arg2[%dma_start3A_219, %dma_start3A_220] : memref<10000x128xf32, #tpu.memory_space<hbm>> -> memref<10000x128xf32, #tpu.memory_space<hbm>>
        tpu.enqueue_indirect_dma source(%dma_start3A_221 : memref<10000x128xf32, #tpu.memory_space<hbm>>) target(%arg13 : memref<128x128xf32, #tpu.memory_space<vmem>>) offsets(%arg8 : memref<128xi32, #tpu.memory_space<vmem>>) semaphore(%arg17 : memref<!tpu.dma_semaphore, #tpu.memory_space<semaphore_mem>>)
      } else {
      }
      %add3A_125 = arith.constant 1 : i32
      %add3A_126 = arith.addi %mul3A_42, %add3A_125 : i32
      %add3A_127 = arith.constant 3 : i32
      %add3A_128 = arith.addi %mul3A_42, %add3A_127 : i32
      %ge3A_129 = arith.constant 78 : i32
      %ge3A_130 = arith.cmpi sge, %add3A_128, %ge3A_129 : i32
      %dma_wait3A_131 = arith.constant 0 : i32
      %dma_wait3A_132 = arith.constant 0 : i32
      %dma_wait3A_133 = tpu.memref_slice %arg2[%dma_wait3A_131, %dma_wait3A_132] : memref<10000x128xf32, #tpu.memory_space<hbm>> -> memref<10000x128xf32, #tpu.memory_space<hbm>>
      tpu.wait_indirect_dma semaphore(%arg18 : memref<!tpu.dma_semaphore, #tpu.memory_space<semaphore_mem>>) src(%dma_wait3A_133 : memref<10000x128xf32, #tpu.memory_space<hbm>>) dst(%arg14 : memref<128x128xf32, #tpu.memory_space<vmem>>)
      %mul3A_134 = arith.constant 128 : i32
      %mul3A_135 = arith.muli %add3A_126, %mul3A_134 : i32
      %add3A_136 = arith.constant 0 : i32
      %add3A_137 = arith.addi %mul3A_135, %add3A_136 : i32
      %get3A_138 = arith.index_cast %add3A_137 : i32 to index
      %get3A_139 = tpu.vector_load %arg7[%get3A_138] {strides = array<i32>} : memref<9984xi32, #tpu.memory_space<vmem>>, vector<16xi32>,
      %get3A_140 = vector.shape_cast %get3A_139 : vector<16xi32> to vector<16xi32>
      %swap3A_141 = arith.constant 0 : index
      %swap3A_142 = tpu.vector_load %arg10[%swap3A_141] {strides = array<i32>} : memref<128xi32, #tpu.memory_space<vmem>>, vector<16xi32>,
      %swap3A_143 = vector.shape_cast %swap3A_142 : vector<16xi32> to vector<16xi32>
      %swap3A_144 = vector.shape_cast %get3A_140 : vector<16xi32> to vector<16xi32>
      tpu.vector_store %arg10[%swap3A_141], %swap3A_144 {strides = array<i32>} : memref<128xi32, #tpu.memory_space<vmem>>, vector<16xi32>,
      %add3A_145 = arith.constant 16 : i32
      %add3A_146 = arith.addi %mul3A_135, %add3A_145 : i32
      %get3A_147 = arith.index_cast %add3A_146 : i32 to index
      %get3A_148 = tpu.vector_load %arg7[%get3A_147] {strides = array<i32>} : memref<9984xi32, #tpu.memory_space<vmem>>, vector<16xi32>,
      %get3A_149 = vector.shape_cast %get3A_148 : vector<16xi32> to vector<16xi32>
      %swap3A_150 = arith.constant 16 : index
      %swap3A_151 = tpu.vector_load %arg10[%swap3A_150] {strides = array<i32>} : memref<128xi32, #tpu.memory_space<vmem>>, vector<16xi32>,
      %swap3A_152 = vector.shape_cast %swap3A_151 : vector<16xi32> to vector<16xi32>
      %swap3A_153 = vector.shape_cast %get3A_149 : vector<16xi32> to vector<16xi32>
      tpu.vector_store %arg10[%swap3A_150], %swap3A_153 {strides = array<i32>} : memref<128xi32, #tpu.memory_space<vmem>>, vector<16xi32>,
      %add3A_154 = arith.constant 32 : i32
      %add3A_155 = arith.addi %mul3A_135, %add3A_154 : i32
      %get3A_156 = arith.index_cast %add3A_155 : i32 to index
      %get3A_157 = tpu.vector_load %arg7[%get3A_156] {strides = array<i32>} : memref<9984xi32, #tpu.memory_space<vmem>>, vector<16xi32>,
      %get3A_158 = vector.shape_cast %get3A_157 : vector<16xi32> to vector<16xi32>
      %swap3A_159 = arith.constant 32 : index
      %swap3A_160 = tpu.vector_load %arg10[%swap3A_159] {strides = array<i32>} : memref<128xi32, #tpu.memory_space<vmem>>, vector<16xi32>,
      %swap3A_161 = vector.shape_cast %swap3A_160 : vector<16xi32> to vector<16xi32>
      %swap3A_162 = vector.shape_cast %get3A_158 : vector<16xi32> to vector<16xi32>
      tpu.vector_store %arg10[%swap3A_159], %swap3A_162 {strides = array<i32>} : memref<128xi32, #tpu.memory_space<vmem>>, vector<16xi32>,
      %add3A_163 = arith.constant 48 : i32
      %add3A_164 = arith.addi %mul3A_135, %add3A_163 : i32
      %get3A_165 = arith.index_cast %add3A_164 : i32 to index
      %get3A_166 = tpu.vector_load %arg7[%get3A_165] {strides = array<i32>} : memref<9984xi32, #tpu.memory_space<vmem>>, vector<16xi32>,
      %get3A_167 = vector.shape_cast %get3A_166 : vector<16xi32> to vector<16xi32>
      %swap3A_168 = arith.constant 48 : index
      %swap3A_169 = tpu.vector_load %arg10[%swap3A_168] {strides = array<i32>} : memref<128xi32, #tpu.memory_space<vmem>>, vector<16xi32>,
      %swap3A_170 = vector.shape_cast %swap3A_169 : vector<16xi32> to vector<16xi32>
      %swap3A_171 = vector.shape_cast %get3A_167 : vector<16xi32> to vector<16xi32>
      tpu.vector_store %arg10[%swap3A_168], %swap3A_171 {strides = array<i32>} : memref<128xi32, #tpu.memory_space<vmem>>, vector<16xi32>,
      %add3A_172 = arith.constant 64 : i32
      %add3A_173 = arith.addi %mul3A_135, %add3A_172 : i32
      %get3A_174 = arith.index_cast %add3A_173 : i32 to index
      %get3A_175 = tpu.vector_load %arg7[%get3A_174] {strides = array<i32>} : memref<9984xi32, #tpu.memory_space<vmem>>, vector<16xi32>,
      %get3A_176 = vector.shape_cast %get3A_175 : vector<16xi32> to vector<16xi32>
      %swap3A_177 = arith.constant 64 : index
      %swap3A_178 = tpu.vector_load %arg10[%swap3A_177] {strides = array<i32>} : memref<128xi32, #tpu.memory_space<vmem>>, vector<16xi32>,
      %swap3A_179 = vector.shape_cast %swap3A_178 : vector<16xi32> to vector<16xi32>
      %swap3A_180 = vector.shape_cast %get3A_176 : vector<16xi32> to vector<16xi32>
      tpu.vector_store %arg10[%swap3A_177], %swap3A_180 {strides = array<i32>} : memref<128xi32, #tpu.memory_space<vmem>>, vector<16xi32>,
      %add3A_181 = arith.constant 80 : i32
      %add3A_182 = arith.addi %mul3A_135, %add3A_181 : i32
      %get3A_183 = arith.index_cast %add3A_182 : i32 to index
      %get3A_184 = tpu.vector_load %arg7[%get3A_183] {strides = array<i32>} : memref<9984xi32, #tpu.memory_space<vmem>>, vector<16xi32>,
      %get3A_185 = vector.shape_cast %get3A_184 : vector<16xi32> to vector<16xi32>
      %swap3A_186 = arith.constant 80 : index
      %swap3A_187 = tpu.vector_load %arg10[%swap3A_186] {strides = array<i32>} : memref<128xi32, #tpu.memory_space<vmem>>, vector<16xi32>,
      %swap3A_188 = vector.shape_cast %swap3A_187 : vector<16xi32> to vector<16xi32>
      %swap3A_189 = vector.shape_cast %get3A_185 : vector<16xi32> to vector<16xi32>
      tpu.vector_store %arg10[%swap3A_186], %swap3A_189 {strides = array<i32>} : memref<128xi32, #tpu.memory_space<vmem>>, vector<16xi32>,
      %add3A_190 = arith.constant 96 : i32
      %add3A_191 = arith.addi %mul3A_135, %add3A_190 : i32
      %get3A_192 = arith.index_cast %add3A_191 : i32 to index
      %get3A_193 = tpu.vector_load %arg7[%get3A_192] {strides = array<i32>} : memref<9984xi32, #tpu.memory_space<vmem>>, vector<16xi32>,
      %get3A_194 = vector.shape_cast %get3A_193 : vector<16xi32> to vector<16xi32>
      %swap3A_195 = arith.constant 96 : index
      %swap3A_196 = tpu.vector_load %arg10[%swap3A_195] {strides = array<i32>} : memref<128xi32, #tpu.memory_space<vmem>>, vector<16xi32>,
      %swap3A_197 = vector.shape_cast %swap3A_196 : vector<16xi32> to vector<16xi32>
      %swap3A_198 = vector.shape_cast %get3A_194 : vector<16xi32> to vector<16xi32>
      tpu.vector_store %arg10[%swap3A_195], %swap3A_198 {strides = array<i32>} : memref<128xi32, #tpu.memory_space<vmem>>, vector<16xi32>,
      %add3A_199 = arith.constant 112 : i32
      %add3A_200 = arith.addi %mul3A_135, %add3A_199 : i32
      %get3A_201 = arith.index_cast %add3A_200 : i32 to index
      %get3A_202 = tpu.vector_load %arg7[%get3A_201] {strides = array<i32>} : memref<9984xi32, #tpu.memory_space<vmem>>, vector<16xi32>,
      %get3A_203 = vector.shape_cast %get3A_202 : vector<16xi32> to vector<16xi32>
      %swap3A_204 = arith.constant 112 : index
      %swap3A_205 = tpu.vector_load %arg10[%swap3A_204] {strides = array<i32>} : memref<128xi32, #tpu.memory_space<vmem>>, vector<16xi32>,
      %swap3A_206 = vector.shape_cast %swap3A_205 : vector<16xi32> to vector<16xi32>
      %swap3A_207 = vector.shape_cast %get3A_203 : vector<16xi32> to vector<16xi32>
      tpu.vector_store %arg10[%swap3A_204], %swap3A_207 {strides = array<i32>} : memref<128xi32, #tpu.memory_space<vmem>>, vector<16xi32>,
      "tpu.region"() ({
        %run_scoped3A = tpu.sem_alloc : memref<!tpu.dma_semaphore, #tpu.memory_space<semaphore_mem>>
        %dma_start3A_214 = arith.constant 0 : i32
        %dma_start3A_215 = arith.constant 0 : i32
        %dma_start3A_216 = tpu.memref_slice %arg16[%dma_start3A_214, %dma_start3A_215] : memref<10000x128xf32, #tpu.memory_space<vmem_shared>> -> memref<10000x128xf32, #tpu.memory_space<vmem_shared>>
        tpu.enqueue_indirect_dma source(%arg14 : memref<128x128xf32, #tpu.memory_space<vmem>>) target(%dma_start3A_216 : memref<10000x128xf32, #tpu.memory_space<vmem_shared>>) offsets(%arg10 : memref<128xi32, #tpu.memory_space<vmem>>) semaphore(%run_scoped3A : memref<!tpu.dma_semaphore, #tpu.memory_space<semaphore_mem>>) {add = true}
        %dma_wait3A_217 = arith.constant 0 : i32
        %dma_wait3A_218 = arith.constant 0 : i32
        %dma_wait3A_219 = tpu.memref_slice %arg16[%dma_wait3A_217, %dma_wait3A_218] : memref<10000x128xf32, #tpu.memory_space<vmem_shared>> -> memref<10000x128xf32, #tpu.memory_space<vmem_shared>>
        tpu.wait_indirect_dma semaphore(%run_scoped3A : memref<!tpu.dma_semaphore, #tpu.memory_space<semaphore_mem>>) src(%arg14 : memref<128x128xf32, #tpu.memory_space<vmem>>) dst(%dma_wait3A_219 : memref<10000x128xf32, #tpu.memory_space<vmem_shared>>)
        tpu.yield
      }) : () -> ()
      %not3A_208 = arith.constant true
      %not3A_209 = arith.xori %ge3A_130, %not3A_208 : i1
      %convert_element_type3A_210 = arith.extui %not3A_209 : i1 to i32
      %cond3A_211 = arith.constant 0 : i32
      %cond3A_212 = arith.cmpi ne, %convert_element_type3A_210, %cond3A_211 : i32
      scf.if %cond3A_212 {
        %add3A_214 = arith.constant 2 : i32
        %add3A_215 = arith.addi %add3A_126, %add3A_214 : i32
        %mul3A_216 = arith.constant 128 : i32
        %mul3A_217 = arith.muli %add3A_215, %mul3A_216 : i32
        %add3A_218 = arith.addi %mul3A_6, %mul3A_217 : i32
        "tpu.region"() ({
          %run_scoped3A = tpu.sem_alloc : memref<!tpu.dma_semaphore, #tpu.memory_space<semaphore_mem>>
          %dma_start3A_222 = tpu.memref_slice %arg3[%add3A_218] : memref<320000xi32, #tpu.memory_space<hbm>> -> memref<128xi32, #tpu.memory_space<hbm>>
          %dma_start3A_223 = tpu.memref_slice %arg3[%add3A_218] : memref<320000xi32, #tpu.memory_space<hbm>> -> memref<128xi32, #tpu.memory_space<hbm>>
          tpu.enqueue_dma source(%dma_start3A_223 : memref<128xi32, #tpu.memory_space<hbm>>) target(%arg9 : memref<128xi32, #tpu.memory_space<vmem>>) target_semaphore(%run_scoped3A : memref<!tpu.dma_semaphore, #tpu.memory_space<semaphore_mem>>)
          %dma_wait3A_224 = tpu.memref_slice %arg3[%add3A_218] : memref<320000xi32, #tpu.memory_space<hbm>> -> memref<128xi32, #tpu.memory_space<hbm>>
          %dma_wait3A_225 = tpu.memref_slice %arg3[%add3A_218] : memref<320000xi32, #tpu.memory_space<hbm>> -> memref<128xi32, #tpu.memory_space<hbm>>
          tpu.wait_dma2 semaphore(%run_scoped3A : memref<!tpu.dma_semaphore, #tpu.memory_space<semaphore_mem>>) src(%dma_wait3A_225 : memref<128xi32, #tpu.memory_space<hbm>>) dst(%arg9 : memref<128xi32, #tpu.memory_space<vmem>>)
          tpu.yield
        }) : () -> ()
        %dma_start3A_219 = arith.constant 0 : i32
        %dma_start3A_220 = arith.constant 0 : i32
        %dma_start3A_221 = tpu.memref_slice %arg2[%dma_start3A_219, %dma_start3A_220] : memref<10000x128xf32, #tpu.memory_space<hbm>> -> memref<10000x128xf32, #tpu.memory_space<hbm>>
        tpu.enqueue_indirect_dma source(%dma_start3A_221 : memref<10000x128xf32, #tpu.memory_space<hbm>>) target(%arg14 : memref<128x128xf32, #tpu.memory_space<vmem>>) offsets(%arg9 : memref<128xi32, #tpu.memory_space<vmem>>) semaphore(%arg18 : memref<!tpu.dma_semaphore, #tpu.memory_space<semaphore_mem>>)
      } else {
      }
      %scan3A_213 = arith.constant 0 : i32
      scf.yield %scan3A_213 : i32
    }
    %scan3A_21 = arith.constant 39 : i32
    %add3A_22 = arith.constant 9984 : i32
    %add3A_23 = arith.addi %mul3A_6, %add3A_22 : i32
    "tpu.region"() ({
      %run_scoped3A = tpu.sem_alloc : memref<!tpu.dma_semaphore, #tpu.memory_space<semaphore_mem>>
      %dma_start3A_39 = tpu.memref_slice %arg3[%add3A_23] : memref<320000xi32, #tpu.memory_space<hbm>> -> memref<16xi32, #tpu.memory_space<hbm>>
      %dma_start3A_40 = tpu.memref_slice %arg3[%add3A_23] : memref<320000xi32, #tpu.memory_space<hbm>> -> memref<16xi32, #tpu.memory_space<hbm>>
      tpu.enqueue_dma source(%dma_start3A_40 : memref<16xi32, #tpu.memory_space<hbm>>) target(%arg11 : memref<16xi32, #tpu.memory_space<vmem>>) target_semaphore(%run_scoped3A : memref<!tpu.dma_semaphore, #tpu.memory_space<semaphore_mem>>)
      %dma_wait3A_41 = tpu.memref_slice %arg3[%add3A_23] : memref<320000xi32, #tpu.memory_space<hbm>> -> memref<16xi32, #tpu.memory_space<hbm>>
      %dma_wait3A_42 = tpu.memref_slice %arg3[%add3A_23] : memref<320000xi32, #tpu.memory_space<hbm>> -> memref<16xi32, #tpu.memory_space<hbm>>
      tpu.wait_dma2 semaphore(%run_scoped3A : memref<!tpu.dma_semaphore, #tpu.memory_space<semaphore_mem>>) src(%dma_wait3A_42 : memref<16xi32, #tpu.memory_space<hbm>>) dst(%arg11 : memref<16xi32, #tpu.memory_space<vmem>>)
      tpu.yield
    }) : () -> ()
    "tpu.region"() ({
      %run_scoped3A = tpu.sem_alloc : memref<!tpu.dma_semaphore, #tpu.memory_space<semaphore_mem>>
      %dma_start3A_39 = tpu.memref_slice %arg4[%add3A_23] : memref<320000xi32, #tpu.memory_space<hbm>> -> memref<16xi32, #tpu.memory_space<hbm>>
      %dma_start3A_40 = tpu.memref_slice %arg4[%add3A_23] : memref<320000xi32, #tpu.memory_space<hbm>> -> memref<16xi32, #tpu.memory_space<hbm>>
      tpu.enqueue_dma source(%dma_start3A_40 : memref<16xi32, #tpu.memory_space<hbm>>) target(%arg12 : memref<16xi32, #tpu.memory_space<vmem>>) target_semaphore(%run_scoped3A : memref<!tpu.dma_semaphore, #tpu.memory_space<semaphore_mem>>)
      %dma_wait3A_41 = tpu.memref_slice %arg4[%add3A_23] : memref<320000xi32, #tpu.memory_space<hbm>> -> memref<16xi32, #tpu.memory_space<hbm>>
      %dma_wait3A_42 = tpu.memref_slice %arg4[%add3A_23] : memref<320000xi32, #tpu.memory_space<hbm>> -> memref<16xi32, #tpu.memory_space<hbm>>
      tpu.wait_dma2 semaphore(%run_scoped3A : memref<!tpu.dma_semaphore, #tpu.memory_space<semaphore_mem>>) src(%dma_wait3A_42 : memref<16xi32, #tpu.memory_space<hbm>>) dst(%arg12 : memref<16xi32, #tpu.memory_space<vmem>>)
      tpu.yield
    }) : () -> ()
    %dma_start3A_24 = arith.constant 0 : i32
    %dma_start3A_25 = arith.constant 0 : i32
    %dma_start3A_26 = tpu.memref_slice %arg2[%dma_start3A_24, %dma_start3A_25] : memref<10000x128xf32, #tpu.memory_space<hbm>> -> memref<10000x128xf32, #tpu.memory_space<hbm>>
    tpu.enqueue_indirect_dma source(%dma_start3A_26 : memref<10000x128xf32, #tpu.memory_space<hbm>>) target(%arg15 : memref<16x128xf32, #tpu.memory_space<vmem>>) offsets(%arg11 : memref<16xi32, #tpu.memory_space<vmem>>) semaphore(%arg17 : memref<!tpu.dma_semaphore, #tpu.memory_space<semaphore_mem>>)
    %dma_wait3A = arith.constant 0 : i32
    %dma_wait3A_27 = arith.constant 0 : i32
    %dma_wait3A_28 = tpu.memref_slice %arg2[%dma_wait3A, %dma_wait3A_27] : memref<10000x128xf32, #tpu.memory_space<hbm>> -> memref<10000x128xf32, #tpu.memory_space<hbm>>
    tpu.wait_indirect_dma semaphore(%arg17 : memref<!tpu.dma_semaphore, #tpu.memory_space<semaphore_mem>>) src(%dma_wait3A_28 : memref<10000x128xf32, #tpu.memory_space<hbm>>) dst(%arg15 : memref<16x128xf32, #tpu.memory_space<vmem>>)
    "tpu.region"() ({
      %run_scoped3A = tpu.sem_alloc : memref<!tpu.dma_semaphore, #tpu.memory_space<semaphore_mem>>
      %dma_start3A_39 = arith.constant 0 : i32
      %dma_start3A_40 = arith.constant 0 : i32
      %dma_start3A_41 = tpu.memref_slice %arg16[%dma_start3A_39, %dma_start3A_40] : memref<10000x128xf32, #tpu.memory_space<vmem_shared>> -> memref<10000x128xf32, #tpu.memory_space<vmem_shared>>
      tpu.enqueue_indirect_dma source(%arg15 : memref<16x128xf32, #tpu.memory_space<vmem>>) target(%dma_start3A_41 : memref<10000x128xf32, #tpu.memory_space<vmem_shared>>) offsets(%arg12 : memref<16xi32, #tpu.memory_space<vmem>>) semaphore(%run_scoped3A : memref<!tpu.dma_semaphore, #tpu.memory_space<semaphore_mem>>) {add = true}
      %dma_wait3A_42 = arith.constant 0 : i32
      %dma_wait3A_43 = arith.constant 0 : i32
      %dma_wait3A_44 = tpu.memref_slice %arg16[%dma_wait3A_42, %dma_wait3A_43] : memref<10000x128xf32, #tpu.memory_space<vmem_shared>> -> memref<10000x128xf32, #tpu.memory_space<vmem_shared>>
      tpu.wait_indirect_dma semaphore(%run_scoped3A : memref<!tpu.dma_semaphore, #tpu.memory_space<semaphore_mem>>) src(%arg15 : memref<16x128xf32, #tpu.memory_space<vmem>>) dst(%dma_wait3A_44 : memref<10000x128xf32, #tpu.memory_space<vmem_shared>>)
      tpu.yield
    }) : () -> ()
    %barrier3A_29 = arith.constant 0 : index
    tpu.barrier barrier_id(%barrier3A_29)
    %mul3A_30 = arith.constant 624 : i32
    %mul3A_31 = arith.muli %arg1, %mul3A_30 : i32
    %mul3A_32 = arith.constant 624 : i32
    %mul3A_33 = arith.muli %arg1, %mul3A_32 : i32
    "tpu.region"() ({
      %run_scoped3A = tpu.sem_alloc : memref<!tpu.dma_semaphore, #tpu.memory_space<semaphore_mem>>
      %dma_start3A_39 = arith.constant 0 : i32
      %dma_start3A_40 = tpu.memref_slice %arg6[%arg0, %mul3A_33, %dma_start3A_39] : memref<2x10000x128xf32, #tpu.memory_space<hbm>> -> memref<1x624x128xf32, #tpu.memory_space<hbm>>
      %dma_start3A_41 = tpu.memref_squeeze %dma_start3A_40 : memref<1x624x128xf32, #tpu.memory_space<hbm>> -> memref<624x128xf32, #tpu.memory_space<hbm>>
      %dma_start3A_42 = arith.constant 0 : i32
      %dma_start3A_43 = tpu.memref_slice %arg16[%mul3A_31, %dma_start3A_42] : memref<10000x128xf32, #tpu.memory_space<vmem_shared>> -> memref<624x128xf32, #tpu.memory_space<vmem_shared>>
      tpu.enqueue_dma source(%dma_start3A_43 : memref<624x128xf32, #tpu.memory_space<vmem_shared>>) target(%dma_start3A_41 : memref<624x128xf32, #tpu.memory_space<hbm>>) target_semaphore(%run_scoped3A : memref<!tpu.dma_semaphore, #tpu.memory_space<semaphore_mem>>)
      %dma_wait3A_44 = arith.constant 0 : i32
      %dma_wait3A_45 = tpu.memref_slice %arg6[%arg0, %mul3A_33, %dma_wait3A_44] : memref<2x10000x128xf32, #tpu.memory_space<hbm>> -> memref<1x624x128xf32, #tpu.memory_space<hbm>>
      %dma_wait3A_46 = tpu.memref_squeeze %dma_wait3A_45 : memref<1x624x128xf32, #tpu.memory_space<hbm>> -> memref<624x128xf32, #tpu.memory_space<hbm>>
      %dma_wait3A_47 = arith.constant 0 : i32
      %dma_wait3A_48 = tpu.memref_slice %arg16[%mul3A_31, %dma_wait3A_47] : memref<10000x128xf32, #tpu.memory_space<vmem_shared>> -> memref<624x128xf32, #tpu.memory_space<vmem_shared>>
      tpu.wait_dma2 semaphore(%run_scoped3A : memref<!tpu.dma_semaphore, #tpu.memory_space<semaphore_mem>>) src(%dma_wait3A_48 : memref<624x128xf32, #tpu.memory_space<vmem_shared>>) dst(%dma_wait3A_46 : memref<624x128xf32, #tpu.memory_space<hbm>>)
      tpu.yield
    }) : () -> ()
    %eq3A_34 = arith.constant 15 : i32
    %eq3A_35 = arith.cmpi eq, %arg1, %eq3A_34 : i32
    %convert_element_type3A_36 = arith.extui %eq3A_35 : i1 to i32
    %cond3A_37 = arith.constant 0 : i32
    %cond3A_38 = arith.cmpi ne, %convert_element_type3A_36, %cond3A_37 : i32
    scf.if %cond3A_38 {
      "tpu.region"() ({
        %run_scoped3A = tpu.sem_alloc : memref<!tpu.dma_semaphore, #tpu.memory_space<semaphore_mem>>
        %dma_start3A_39 = arith.constant 9984 : i32
        %dma_start3A_40 = arith.constant 0 : i32
        %dma_start3A_41 = tpu.memref_slice %arg6[%arg0, %dma_start3A_39, %dma_start3A_40] : memref<2x10000x128xf32, #tpu.memory_space<hbm>> -> memref<1x16x128xf32, #tpu.memory_space<hbm>>
        %dma_start3A_42 = tpu.memref_squeeze %dma_start3A_41 : memref<1x16x128xf32, #tpu.memory_space<hbm>> -> memref<16x128xf32, #tpu.memory_space<hbm>>
        %dma_start3A_43 = arith.constant 9984 : i32
        %dma_start3A_44 = arith.constant 0 : i32
        %dma_start3A_45 = tpu.memref_slice %arg16[%dma_start3A_43, %dma_start3A_44] : memref<10000x128xf32, #tpu.memory_space<vmem_shared>> -> memref<16x128xf32, #tpu.memory_space<vmem_shared>>
        tpu.enqueue_dma source(%dma_start3A_45 : memref<16x128xf32, #tpu.memory_space<vmem_shared>>) target(%dma_start3A_42 : memref<16x128xf32, #tpu.memory_space<hbm>>) target_semaphore(%run_scoped3A : memref<!tpu.dma_semaphore, #tpu.memory_space<semaphore_mem>>)
        %dma_wait3A_46 = arith.constant 9984 : i32
        %dma_wait3A_47 = arith.constant 0 : i32
        %dma_wait3A_48 = tpu.memref_slice %arg6[%arg0, %dma_wait3A_46, %dma_wait3A_47] : memref<2x10000x128xf32, #tpu.memory_space<hbm>> -> memref<1x16x128xf32, #tpu.memory_space<hbm>>
        %dma_wait3A_49 = tpu.memref_squeeze %dma_wait3A_48 : memref<1x16x128xf32, #tpu.memory_space<hbm>> -> memref<16x128xf32, #tpu.memory_space<hbm>>
        %dma_wait3A_50 = arith.constant 9984 : i32
        %dma_wait3A_51 = arith.constant 0 : i32
        %dma_wait3A_52 = tpu.memref_slice %arg16[%dma_wait3A_50, %dma_wait3A_51] : memref<10000x128xf32, #tpu.memory_space<vmem_shared>> -> memref<16x128xf32, #tpu.memory_space<vmem_shared>>
        tpu.wait_dma2 semaphore(%run_scoped3A : memref<!tpu.dma_semaphore, #tpu.memory_space<semaphore_mem>>) src(%dma_wait3A_52 : memref<16x128xf32, #tpu.memory_space<vmem_shared>>) dst(%dma_wait3A_49 : memref<16x128xf32, #tpu.memory_space<hbm>>)
        tpu.yield
      }) : () -> ()
    } else {
    }
    return
  }
}

module attributes {stable_mosaic.version = 14 : i64} {
  func.func @_hist_body(%arg0: memref<2500x128xi32, #tpu.memory_space<vmem>>, %arg1: memref<128x128xf32, #tpu.memory_space<vmem>>) attributes {dimension_semantics = [], scalar_prefetch = 0 : i64, scratch_operands = 0 : i64, tpu.core_type = #tpu.core_type<tc>} {
    %iota3A = tpu.iota {dimensions = array<i32: 0>} : vector<128x1xi32>
    %broadcast_in_dim3A = arith.constant 0.000000e+00 : f32
    %broadcast_in_dim3A_0 = vector.broadcast %broadcast_in_dim3A : f32 to vector<128x128xf32>
    %scan3A = arith.constant 0 : i32
    %scan3A_1 = arith.constant 250 : i32
    %scan3A_2 = arith.addi %scan3A, %scan3A_1 : i32
    %scan3A_3 = arith.constant 1 : i32
    %scan3A_4:2 = scf.for %scan3A_8 = %scan3A to %scan3A_2 step %scan3A_3 iter_args(%scan3A_9 = %broadcast_in_dim3A_0, %scan3A_10 = %broadcast_in_dim3A_0) -> (vector<128x128xf32>, vector<128x128xf32>)  : i32 {
      %mul3A = arith.constant 10 : i32
      %mul3A_11 = arith.muli %scan3A_8, %mul3A : i32
      %add3A_12 = arith.constant 0 : i32
      %add3A_13 = arith.addi %mul3A_11, %add3A_12 : i32
      %get3A = arith.index_cast %add3A_13 : i32 to index
      %get3A_14 = arith.constant 0 : index
      %get3A_15 = vector.load %arg0[%get3A, %get3A_14] : memref<2500x128xi32, #tpu.memory_space<vmem>>, vector<1x128xi32>
      %shift_right_arithmetic3A = arith.constant 7 : i32
      %shift_right_arithmetic3A_16 = vector.broadcast %shift_right_arithmetic3A : i32 to vector<1x128xi32>
      %shift_right_arithmetic3A_17 = arith.shrsi %get3A_15, %shift_right_arithmetic3A_16 : vector<1x128xi32>
      %eq3A = vector.broadcast %shift_right_arithmetic3A_17 : vector<1x128xi32> to vector<128x128xi32>
      %eq3A_18 = vector.broadcast %iota3A : vector<128x1xi32> to vector<128x128xi32>
      %eq3A_19 = arith.cmpi eq, %eq3A, %eq3A_18 : vector<128x128xi32>
      %convert_element_type3A = arith.extui %eq3A_19 : vector<128x128xi1> to vector<128x128xi32>
      %convert_element_type3A_20 = arith.sitofp %convert_element_type3A : vector<128x128xi32> to vector<128x128xf32>
      %convert_element_type3A_21 = arith.truncf %convert_element_type3A_20 : vector<128x128xf32> to vector<128x128xbf16>
      %and3A = arith.constant 127 : i32
      %and3A_22 = vector.broadcast %and3A : i32 to vector<1x128xi32>
      %and3A_23 = arith.andi %get3A_15, %and3A_22 : vector<1x128xi32>
      %eq3A_24 = vector.broadcast %and3A_23 : vector<1x128xi32> to vector<128x128xi32>
      %eq3A_25 = vector.broadcast %iota3A : vector<128x1xi32> to vector<128x128xi32>
      %eq3A_26 = arith.cmpi eq, %eq3A_24, %eq3A_25 : vector<128x128xi32>
      %convert_element_type3A_27 = arith.extui %eq3A_26 : vector<128x128xi1> to vector<128x128xi32>
      %convert_element_type3A_28 = arith.sitofp %convert_element_type3A_27 : vector<128x128xi32> to vector<128x128xf32>
      %convert_element_type3A_29 = arith.truncf %convert_element_type3A_28 : vector<128x128xf32> to vector<128x128xbf16>
      %dot_general3A = arith.constant dense<0.000000e+00> : vector<128x128xf32>
      %dot_general3A_30 = tpu.matmul %convert_element_type3A_21, %convert_element_type3A_29, %dot_general3A {dimension_numbers = #tpu.dot_dimension_numbers<[1], [1], [0], [0], [0, 0, 1, 0], [], []>, transpose_lhs_hint = false} : vector<128x128xbf16>, vector<128x128xbf16>, vector<128x128xf32> -> vector<128x128xf32>
      %add3A_31 = arith.addf %scan3A_9, %dot_general3A_30 : vector<128x128xf32>
      %add3A_32 = arith.constant 1 : i32
      %add3A_33 = arith.addi %mul3A_11, %add3A_32 : i32
      %get3A_34 = arith.index_cast %add3A_33 : i32 to index
      %get3A_35 = arith.constant 0 : index
      %get3A_36 = vector.load %arg0[%get3A_34, %get3A_35] : memref<2500x128xi32, #tpu.memory_space<vmem>>, vector<1x128xi32>
      %shift_right_arithmetic3A_37 = arith.constant 7 : i32
      %shift_right_arithmetic3A_38 = vector.broadcast %shift_right_arithmetic3A_37 : i32 to vector<1x128xi32>
      %shift_right_arithmetic3A_39 = arith.shrsi %get3A_36, %shift_right_arithmetic3A_38 : vector<1x128xi32>
      %eq3A_40 = vector.broadcast %shift_right_arithmetic3A_39 : vector<1x128xi32> to vector<128x128xi32>
      %eq3A_41 = vector.broadcast %iota3A : vector<128x1xi32> to vector<128x128xi32>
      %eq3A_42 = arith.cmpi eq, %eq3A_40, %eq3A_41 : vector<128x128xi32>
      %convert_element_type3A_43 = arith.extui %eq3A_42 : vector<128x128xi1> to vector<128x128xi32>
      %convert_element_type3A_44 = arith.sitofp %convert_element_type3A_43 : vector<128x128xi32> to vector<128x128xf32>
      %convert_element_type3A_45 = arith.truncf %convert_element_type3A_44 : vector<128x128xf32> to vector<128x128xbf16>
      %and3A_46 = arith.constant 127 : i32
      %and3A_47 = vector.broadcast %and3A_46 : i32 to vector<1x128xi32>
      %and3A_48 = arith.andi %get3A_36, %and3A_47 : vector<1x128xi32>
      %eq3A_49 = vector.broadcast %and3A_48 : vector<1x128xi32> to vector<128x128xi32>
      %eq3A_50 = vector.broadcast %iota3A : vector<128x1xi32> to vector<128x128xi32>
      %eq3A_51 = arith.cmpi eq, %eq3A_49, %eq3A_50 : vector<128x128xi32>
      %convert_element_type3A_52 = arith.extui %eq3A_51 : vector<128x128xi1> to vector<128x128xi32>
      %convert_element_type3A_53 = arith.sitofp %convert_element_type3A_52 : vector<128x128xi32> to vector<128x128xf32>
      %convert_element_type3A_54 = arith.truncf %convert_element_type3A_53 : vector<128x128xf32> to vector<128x128xbf16>
      %dot_general3A_55 = arith.constant dense<0.000000e+00> : vector<128x128xf32>
      %dot_general3A_56 = tpu.matmul %convert_element_type3A_45, %convert_element_type3A_54, %dot_general3A_55 {dimension_numbers = #tpu.dot_dimension_numbers<[1], [1], [0], [0], [0, 0, 1, 0], [], []>, transpose_lhs_hint = false} : vector<128x128xbf16>, vector<128x128xbf16>, vector<128x128xf32> -> vector<128x128xf32>
      %add3A_57 = arith.addf %scan3A_10, %dot_general3A_56 : vector<128x128xf32>
      %add3A_58 = arith.constant 2 : i32
      %add3A_59 = arith.addi %mul3A_11, %add3A_58 : i32
      %get3A_60 = arith.index_cast %add3A_59 : i32 to index
      %get3A_61 = arith.constant 0 : index
      %get3A_62 = vector.load %arg0[%get3A_60, %get3A_61] : memref<2500x128xi32, #tpu.memory_space<vmem>>, vector<1x128xi32>
      %shift_right_arithmetic3A_63 = arith.constant 7 : i32
      %shift_right_arithmetic3A_64 = vector.broadcast %shift_right_arithmetic3A_63 : i32 to vector<1x128xi32>
      %shift_right_arithmetic3A_65 = arith.shrsi %get3A_62, %shift_right_arithmetic3A_64 : vector<1x128xi32>
      %eq3A_66 = vector.broadcast %shift_right_arithmetic3A_65 : vector<1x128xi32> to vector<128x128xi32>
      %eq3A_67 = vector.broadcast %iota3A : vector<128x1xi32> to vector<128x128xi32>
      %eq3A_68 = arith.cmpi eq, %eq3A_66, %eq3A_67 : vector<128x128xi32>
      %convert_element_type3A_69 = arith.extui %eq3A_68 : vector<128x128xi1> to vector<128x128xi32>
      %convert_element_type3A_70 = arith.sitofp %convert_element_type3A_69 : vector<128x128xi32> to vector<128x128xf32>
      %convert_element_type3A_71 = arith.truncf %convert_element_type3A_70 : vector<128x128xf32> to vector<128x128xbf16>
      %and3A_72 = arith.constant 127 : i32
      %and3A_73 = vector.broadcast %and3A_72 : i32 to vector<1x128xi32>
      %and3A_74 = arith.andi %get3A_62, %and3A_73 : vector<1x128xi32>
      %eq3A_75 = vector.broadcast %and3A_74 : vector<1x128xi32> to vector<128x128xi32>
      %eq3A_76 = vector.broadcast %iota3A : vector<128x1xi32> to vector<128x128xi32>
      %eq3A_77 = arith.cmpi eq, %eq3A_75, %eq3A_76 : vector<128x128xi32>
      %convert_element_type3A_78 = arith.extui %eq3A_77 : vector<128x128xi1> to vector<128x128xi32>
      %convert_element_type3A_79 = arith.sitofp %convert_element_type3A_78 : vector<128x128xi32> to vector<128x128xf32>
      %convert_element_type3A_80 = arith.truncf %convert_element_type3A_79 : vector<128x128xf32> to vector<128x128xbf16>
      %dot_general3A_81 = arith.constant dense<0.000000e+00> : vector<128x128xf32>
      %dot_general3A_82 = tpu.matmul %convert_element_type3A_71, %convert_element_type3A_80, %dot_general3A_81 {dimension_numbers = #tpu.dot_dimension_numbers<[1], [1], [0], [0], [0, 0, 1, 0], [], []>, transpose_lhs_hint = false} : vector<128x128xbf16>, vector<128x128xbf16>, vector<128x128xf32> -> vector<128x128xf32>
      %add3A_83 = arith.addf %add3A_31, %dot_general3A_82 : vector<128x128xf32>
      %add3A_84 = arith.constant 3 : i32
      %add3A_85 = arith.addi %mul3A_11, %add3A_84 : i32
      %get3A_86 = arith.index_cast %add3A_85 : i32 to index
      %get3A_87 = arith.constant 0 : index
      %get3A_88 = vector.load %arg0[%get3A_86, %get3A_87] : memref<2500x128xi32, #tpu.memory_space<vmem>>, vector<1x128xi32>
      %shift_right_arithmetic3A_89 = arith.constant 7 : i32
      %shift_right_arithmetic3A_90 = vector.broadcast %shift_right_arithmetic3A_89 : i32 to vector<1x128xi32>
      %shift_right_arithmetic3A_91 = arith.shrsi %get3A_88, %shift_right_arithmetic3A_90 : vector<1x128xi32>
      %eq3A_92 = vector.broadcast %shift_right_arithmetic3A_91 : vector<1x128xi32> to vector<128x128xi32>
      %eq3A_93 = vector.broadcast %iota3A : vector<128x1xi32> to vector<128x128xi32>
      %eq3A_94 = arith.cmpi eq, %eq3A_92, %eq3A_93 : vector<128x128xi32>
      %convert_element_type3A_95 = arith.extui %eq3A_94 : vector<128x128xi1> to vector<128x128xi32>
      %convert_element_type3A_96 = arith.sitofp %convert_element_type3A_95 : vector<128x128xi32> to vector<128x128xf32>
      %convert_element_type3A_97 = arith.truncf %convert_element_type3A_96 : vector<128x128xf32> to vector<128x128xbf16>
      %and3A_98 = arith.constant 127 : i32
      %and3A_99 = vector.broadcast %and3A_98 : i32 to vector<1x128xi32>
      %and3A_100 = arith.andi %get3A_88, %and3A_99 : vector<1x128xi32>
      %eq3A_101 = vector.broadcast %and3A_100 : vector<1x128xi32> to vector<128x128xi32>
      %eq3A_102 = vector.broadcast %iota3A : vector<128x1xi32> to vector<128x128xi32>
      %eq3A_103 = arith.cmpi eq, %eq3A_101, %eq3A_102 : vector<128x128xi32>
      %convert_element_type3A_104 = arith.extui %eq3A_103 : vector<128x128xi1> to vector<128x128xi32>
      %convert_element_type3A_105 = arith.sitofp %convert_element_type3A_104 : vector<128x128xi32> to vector<128x128xf32>
      %convert_element_type3A_106 = arith.truncf %convert_element_type3A_105 : vector<128x128xf32> to vector<128x128xbf16>
      %dot_general3A_107 = arith.constant dense<0.000000e+00> : vector<128x128xf32>
      %dot_general3A_108 = tpu.matmul %convert_element_type3A_97, %convert_element_type3A_106, %dot_general3A_107 {dimension_numbers = #tpu.dot_dimension_numbers<[1], [1], [0], [0], [0, 0, 1, 0], [], []>, transpose_lhs_hint = false} : vector<128x128xbf16>, vector<128x128xbf16>, vector<128x128xf32> -> vector<128x128xf32>
      %add3A_109 = arith.addf %add3A_57, %dot_general3A_108 : vector<128x128xf32>
      %add3A_110 = arith.constant 4 : i32
      %add3A_111 = arith.addi %mul3A_11, %add3A_110 : i32
      %get3A_112 = arith.index_cast %add3A_111 : i32 to index
      %get3A_113 = arith.constant 0 : index
      %get3A_114 = vector.load %arg0[%get3A_112, %get3A_113] : memref<2500x128xi32, #tpu.memory_space<vmem>>, vector<1x128xi32>
      %shift_right_arithmetic3A_115 = arith.constant 7 : i32
      %shift_right_arithmetic3A_116 = vector.broadcast %shift_right_arithmetic3A_115 : i32 to vector<1x128xi32>
      %shift_right_arithmetic3A_117 = arith.shrsi %get3A_114, %shift_right_arithmetic3A_116 : vector<1x128xi32>
      %eq3A_118 = vector.broadcast %shift_right_arithmetic3A_117 : vector<1x128xi32> to vector<128x128xi32>
      %eq3A_119 = vector.broadcast %iota3A : vector<128x1xi32> to vector<128x128xi32>
      %eq3A_120 = arith.cmpi eq, %eq3A_118, %eq3A_119 : vector<128x128xi32>
      %convert_element_type3A_121 = arith.extui %eq3A_120 : vector<128x128xi1> to vector<128x128xi32>
      %convert_element_type3A_122 = arith.sitofp %convert_element_type3A_121 : vector<128x128xi32> to vector<128x128xf32>
      %convert_element_type3A_123 = arith.truncf %convert_element_type3A_122 : vector<128x128xf32> to vector<128x128xbf16>
      %and3A_124 = arith.constant 127 : i32
      %and3A_125 = vector.broadcast %and3A_124 : i32 to vector<1x128xi32>
      %and3A_126 = arith.andi %get3A_114, %and3A_125 : vector<1x128xi32>
      %eq3A_127 = vector.broadcast %and3A_126 : vector<1x128xi32> to vector<128x128xi32>
      %eq3A_128 = vector.broadcast %iota3A : vector<128x1xi32> to vector<128x128xi32>
      %eq3A_129 = arith.cmpi eq, %eq3A_127, %eq3A_128 : vector<128x128xi32>
      %convert_element_type3A_130 = arith.extui %eq3A_129 : vector<128x128xi1> to vector<128x128xi32>
      %convert_element_type3A_131 = arith.sitofp %convert_element_type3A_130 : vector<128x128xi32> to vector<128x128xf32>
      %convert_element_type3A_132 = arith.truncf %convert_element_type3A_131 : vector<128x128xf32> to vector<128x128xbf16>
      %dot_general3A_133 = arith.constant dense<0.000000e+00> : vector<128x128xf32>
      %dot_general3A_134 = tpu.matmul %convert_element_type3A_123, %convert_element_type3A_132, %dot_general3A_133 {dimension_numbers = #tpu.dot_dimension_numbers<[1], [1], [0], [0], [0, 0, 1, 0], [], []>, transpose_lhs_hint = false} : vector<128x128xbf16>, vector<128x128xbf16>, vector<128x128xf32> -> vector<128x128xf32>
      %add3A_135 = arith.addf %add3A_83, %dot_general3A_134 : vector<128x128xf32>
      %add3A_136 = arith.constant 5 : i32
      %add3A_137 = arith.addi %mul3A_11, %add3A_136 : i32
      %get3A_138 = arith.index_cast %add3A_137 : i32 to index
      %get3A_139 = arith.constant 0 : index
      %get3A_140 = vector.load %arg0[%get3A_138, %get3A_139] : memref<2500x128xi32, #tpu.memory_space<vmem>>, vector<1x128xi32>
      %shift_right_arithmetic3A_141 = arith.constant 7 : i32
      %shift_right_arithmetic3A_142 = vector.broadcast %shift_right_arithmetic3A_141 : i32 to vector<1x128xi32>
      %shift_right_arithmetic3A_143 = arith.shrsi %get3A_140, %shift_right_arithmetic3A_142 : vector<1x128xi32>
      %eq3A_144 = vector.broadcast %shift_right_arithmetic3A_143 : vector<1x128xi32> to vector<128x128xi32>
      %eq3A_145 = vector.broadcast %iota3A : vector<128x1xi32> to vector<128x128xi32>
      %eq3A_146 = arith.cmpi eq, %eq3A_144, %eq3A_145 : vector<128x128xi32>
      %convert_element_type3A_147 = arith.extui %eq3A_146 : vector<128x128xi1> to vector<128x128xi32>
      %convert_element_type3A_148 = arith.sitofp %convert_element_type3A_147 : vector<128x128xi32> to vector<128x128xf32>
      %convert_element_type3A_149 = arith.truncf %convert_element_type3A_148 : vector<128x128xf32> to vector<128x128xbf16>
      %and3A_150 = arith.constant 127 : i32
      %and3A_151 = vector.broadcast %and3A_150 : i32 to vector<1x128xi32>
      %and3A_152 = arith.andi %get3A_140, %and3A_151 : vector<1x128xi32>
      %eq3A_153 = vector.broadcast %and3A_152 : vector<1x128xi32> to vector<128x128xi32>
      %eq3A_154 = vector.broadcast %iota3A : vector<128x1xi32> to vector<128x128xi32>
      %eq3A_155 = arith.cmpi eq, %eq3A_153, %eq3A_154 : vector<128x128xi32>
      %convert_element_type3A_156 = arith.extui %eq3A_155 : vector<128x128xi1> to vector<128x128xi32>
      %convert_element_type3A_157 = arith.sitofp %convert_element_type3A_156 : vector<128x128xi32> to vector<128x128xf32>
      %convert_element_type3A_158 = arith.truncf %convert_element_type3A_157 : vector<128x128xf32> to vector<128x128xbf16>
      %dot_general3A_159 = arith.constant dense<0.000000e+00> : vector<128x128xf32>
      %dot_general3A_160 = tpu.matmul %convert_element_type3A_149, %convert_element_type3A_158, %dot_general3A_159 {dimension_numbers = #tpu.dot_dimension_numbers<[1], [1], [0], [0], [0, 0, 1, 0], [], []>, transpose_lhs_hint = false} : vector<128x128xbf16>, vector<128x128xbf16>, vector<128x128xf32> -> vector<128x128xf32>
      %add3A_161 = arith.addf %add3A_109, %dot_general3A_160 : vector<128x128xf32>
      %add3A_162 = arith.constant 6 : i32
      %add3A_163 = arith.addi %mul3A_11, %add3A_162 : i32
      %get3A_164 = arith.index_cast %add3A_163 : i32 to index
      %get3A_165 = arith.constant 0 : index
      %get3A_166 = vector.load %arg0[%get3A_164, %get3A_165] : memref<2500x128xi32, #tpu.memory_space<vmem>>, vector<1x128xi32>
      %shift_right_arithmetic3A_167 = arith.constant 7 : i32
      %shift_right_arithmetic3A_168 = vector.broadcast %shift_right_arithmetic3A_167 : i32 to vector<1x128xi32>
      %shift_right_arithmetic3A_169 = arith.shrsi %get3A_166, %shift_right_arithmetic3A_168 : vector<1x128xi32>
      %eq3A_170 = vector.broadcast %shift_right_arithmetic3A_169 : vector<1x128xi32> to vector<128x128xi32>
      %eq3A_171 = vector.broadcast %iota3A : vector<128x1xi32> to vector<128x128xi32>
      %eq3A_172 = arith.cmpi eq, %eq3A_170, %eq3A_171 : vector<128x128xi32>
      %convert_element_type3A_173 = arith.extui %eq3A_172 : vector<128x128xi1> to vector<128x128xi32>
      %convert_element_type3A_174 = arith.sitofp %convert_element_type3A_173 : vector<128x128xi32> to vector<128x128xf32>
      %convert_element_type3A_175 = arith.truncf %convert_element_type3A_174 : vector<128x128xf32> to vector<128x128xbf16>
      %and3A_176 = arith.constant 127 : i32
      %and3A_177 = vector.broadcast %and3A_176 : i32 to vector<1x128xi32>
      %and3A_178 = arith.andi %get3A_166, %and3A_177 : vector<1x128xi32>
      %eq3A_179 = vector.broadcast %and3A_178 : vector<1x128xi32> to vector<128x128xi32>
      %eq3A_180 = vector.broadcast %iota3A : vector<128x1xi32> to vector<128x128xi32>
      %eq3A_181 = arith.cmpi eq, %eq3A_179, %eq3A_180 : vector<128x128xi32>
      %convert_element_type3A_182 = arith.extui %eq3A_181 : vector<128x128xi1> to vector<128x128xi32>
      %convert_element_type3A_183 = arith.sitofp %convert_element_type3A_182 : vector<128x128xi32> to vector<128x128xf32>
      %convert_element_type3A_184 = arith.truncf %convert_element_type3A_183 : vector<128x128xf32> to vector<128x128xbf16>
      %dot_general3A_185 = arith.constant dense<0.000000e+00> : vector<128x128xf32>
      %dot_general3A_186 = tpu.matmul %convert_element_type3A_175, %convert_element_type3A_184, %dot_general3A_185 {dimension_numbers = #tpu.dot_dimension_numbers<[1], [1], [0], [0], [0, 0, 1, 0], [], []>, transpose_lhs_hint = false} : vector<128x128xbf16>, vector<128x128xbf16>, vector<128x128xf32> -> vector<128x128xf32>
      %add3A_187 = arith.addf %add3A_135, %dot_general3A_186 : vector<128x128xf32>
      %add3A_188 = arith.constant 7 : i32
      %add3A_189 = arith.addi %mul3A_11, %add3A_188 : i32
      %get3A_190 = arith.index_cast %add3A_189 : i32 to index
      %get3A_191 = arith.constant 0 : index
      %get3A_192 = vector.load %arg0[%get3A_190, %get3A_191] : memref<2500x128xi32, #tpu.memory_space<vmem>>, vector<1x128xi32>
      %shift_right_arithmetic3A_193 = arith.constant 7 : i32
      %shift_right_arithmetic3A_194 = vector.broadcast %shift_right_arithmetic3A_193 : i32 to vector<1x128xi32>
      %shift_right_arithmetic3A_195 = arith.shrsi %get3A_192, %shift_right_arithmetic3A_194 : vector<1x128xi32>
      %eq3A_196 = vector.broadcast %shift_right_arithmetic3A_195 : vector<1x128xi32> to vector<128x128xi32>
      %eq3A_197 = vector.broadcast %iota3A : vector<128x1xi32> to vector<128x128xi32>
      %eq3A_198 = arith.cmpi eq, %eq3A_196, %eq3A_197 : vector<128x128xi32>
      %convert_element_type3A_199 = arith.extui %eq3A_198 : vector<128x128xi1> to vector<128x128xi32>
      %convert_element_type3A_200 = arith.sitofp %convert_element_type3A_199 : vector<128x128xi32> to vector<128x128xf32>
      %convert_element_type3A_201 = arith.truncf %convert_element_type3A_200 : vector<128x128xf32> to vector<128x128xbf16>
      %and3A_202 = arith.constant 127 : i32
      %and3A_203 = vector.broadcast %and3A_202 : i32 to vector<1x128xi32>
      %and3A_204 = arith.andi %get3A_192, %and3A_203 : vector<1x128xi32>
      %eq3A_205 = vector.broadcast %and3A_204 : vector<1x128xi32> to vector<128x128xi32>
      %eq3A_206 = vector.broadcast %iota3A : vector<128x1xi32> to vector<128x128xi32>
      %eq3A_207 = arith.cmpi eq, %eq3A_205, %eq3A_206 : vector<128x128xi32>
      %convert_element_type3A_208 = arith.extui %eq3A_207 : vector<128x128xi1> to vector<128x128xi32>
      %convert_element_type3A_209 = arith.sitofp %convert_element_type3A_208 : vector<128x128xi32> to vector<128x128xf32>
      %convert_element_type3A_210 = arith.truncf %convert_element_type3A_209 : vector<128x128xf32> to vector<128x128xbf16>
      %dot_general3A_211 = arith.constant dense<0.000000e+00> : vector<128x128xf32>
      %dot_general3A_212 = tpu.matmul %convert_element_type3A_201, %convert_element_type3A_210, %dot_general3A_211 {dimension_numbers = #tpu.dot_dimension_numbers<[1], [1], [0], [0], [0, 0, 1, 0], [], []>, transpose_lhs_hint = false} : vector<128x128xbf16>, vector<128x128xbf16>, vector<128x128xf32> -> vector<128x128xf32>
      %add3A_213 = arith.addf %add3A_161, %dot_general3A_212 : vector<128x128xf32>
      %add3A_214 = arith.constant 8 : i32
      %add3A_215 = arith.addi %mul3A_11, %add3A_214 : i32
      %get3A_216 = arith.index_cast %add3A_215 : i32 to index
      %get3A_217 = arith.constant 0 : index
      %get3A_218 = vector.load %arg0[%get3A_216, %get3A_217] : memref<2500x128xi32, #tpu.memory_space<vmem>>, vector<1x128xi32>
      %shift_right_arithmetic3A_219 = arith.constant 7 : i32
      %shift_right_arithmetic3A_220 = vector.broadcast %shift_right_arithmetic3A_219 : i32 to vector<1x128xi32>
      %shift_right_arithmetic3A_221 = arith.shrsi %get3A_218, %shift_right_arithmetic3A_220 : vector<1x128xi32>
      %eq3A_222 = vector.broadcast %shift_right_arithmetic3A_221 : vector<1x128xi32> to vector<128x128xi32>
      %eq3A_223 = vector.broadcast %iota3A : vector<128x1xi32> to vector<128x128xi32>
      %eq3A_224 = arith.cmpi eq, %eq3A_222, %eq3A_223 : vector<128x128xi32>
      %convert_element_type3A_225 = arith.extui %eq3A_224 : vector<128x128xi1> to vector<128x128xi32>
      %convert_element_type3A_226 = arith.sitofp %convert_element_type3A_225 : vector<128x128xi32> to vector<128x128xf32>
      %convert_element_type3A_227 = arith.truncf %convert_element_type3A_226 : vector<128x128xf32> to vector<128x128xbf16>
      %and3A_228 = arith.constant 127 : i32
      %and3A_229 = vector.broadcast %and3A_228 : i32 to vector<1x128xi32>
      %and3A_230 = arith.andi %get3A_218, %and3A_229 : vector<1x128xi32>
      %eq3A_231 = vector.broadcast %and3A_230 : vector<1x128xi32> to vector<128x128xi32>
      %eq3A_232 = vector.broadcast %iota3A : vector<128x1xi32> to vector<128x128xi32>
      %eq3A_233 = arith.cmpi eq, %eq3A_231, %eq3A_232 : vector<128x128xi32>
      %convert_element_type3A_234 = arith.extui %eq3A_233 : vector<128x128xi1> to vector<128x128xi32>
      %convert_element_type3A_235 = arith.sitofp %convert_element_type3A_234 : vector<128x128xi32> to vector<128x128xf32>
      %convert_element_type3A_236 = arith.truncf %convert_element_type3A_235 : vector<128x128xf32> to vector<128x128xbf16>
      %dot_general3A_237 = arith.constant dense<0.000000e+00> : vector<128x128xf32>
      %dot_general3A_238 = tpu.matmul %convert_element_type3A_227, %convert_element_type3A_236, %dot_general3A_237 {dimension_numbers = #tpu.dot_dimension_numbers<[1], [1], [0], [0], [0, 0, 1, 0], [], []>, transpose_lhs_hint = false} : vector<128x128xbf16>, vector<128x128xbf16>, vector<128x128xf32> -> vector<128x128xf32>
      %add3A_239 = arith.addf %add3A_187, %dot_general3A_238 : vector<128x128xf32>
      %add3A_240 = arith.constant 9 : i32
      %add3A_241 = arith.addi %mul3A_11, %add3A_240 : i32
      %get3A_242 = arith.index_cast %add3A_241 : i32 to index
      %get3A_243 = arith.constant 0 : index
      %get3A_244 = vector.load %arg0[%get3A_242, %get3A_243] : memref<2500x128xi32, #tpu.memory_space<vmem>>, vector<1x128xi32>
      %shift_right_arithmetic3A_245 = arith.constant 7 : i32
      %shift_right_arithmetic3A_246 = vector.broadcast %shift_right_arithmetic3A_245 : i32 to vector<1x128xi32>
      %shift_right_arithmetic3A_247 = arith.shrsi %get3A_244, %shift_right_arithmetic3A_246 : vector<1x128xi32>
      %eq3A_248 = vector.broadcast %shift_right_arithmetic3A_247 : vector<1x128xi32> to vector<128x128xi32>
      %eq3A_249 = vector.broadcast %iota3A : vector<128x1xi32> to vector<128x128xi32>
      %eq3A_250 = arith.cmpi eq, %eq3A_248, %eq3A_249 : vector<128x128xi32>
      %convert_element_type3A_251 = arith.extui %eq3A_250 : vector<128x128xi1> to vector<128x128xi32>
      %convert_element_type3A_252 = arith.sitofp %convert_element_type3A_251 : vector<128x128xi32> to vector<128x128xf32>
      %convert_element_type3A_253 = arith.truncf %convert_element_type3A_252 : vector<128x128xf32> to vector<128x128xbf16>
      %and3A_254 = arith.constant 127 : i32
      %and3A_255 = vector.broadcast %and3A_254 : i32 to vector<1x128xi32>
      %and3A_256 = arith.andi %get3A_244, %and3A_255 : vector<1x128xi32>
      %eq3A_257 = vector.broadcast %and3A_256 : vector<1x128xi32> to vector<128x128xi32>
      %eq3A_258 = vector.broadcast %iota3A : vector<128x1xi32> to vector<128x128xi32>
      %eq3A_259 = arith.cmpi eq, %eq3A_257, %eq3A_258 : vector<128x128xi32>
      %convert_element_type3A_260 = arith.extui %eq3A_259 : vector<128x128xi1> to vector<128x128xi32>
      %convert_element_type3A_261 = arith.sitofp %convert_element_type3A_260 : vector<128x128xi32> to vector<128x128xf32>
      %convert_element_type3A_262 = arith.truncf %convert_element_type3A_261 : vector<128x128xf32> to vector<128x128xbf16>
      %dot_general3A_263 = arith.constant dense<0.000000e+00> : vector<128x128xf32>
      %dot_general3A_264 = tpu.matmul %convert_element_type3A_253, %convert_element_type3A_262, %dot_general3A_263 {dimension_numbers = #tpu.dot_dimension_numbers<[1], [1], [0], [0], [0, 0, 1, 0], [], []>, transpose_lhs_hint = false} : vector<128x128xbf16>, vector<128x128xbf16>, vector<128x128xf32> -> vector<128x128xf32>
      %add3A_265 = arith.addf %add3A_213, %dot_general3A_264 : vector<128x128xf32>
      scf.yield %add3A_239, %add3A_265 : vector<128x128xf32>, vector<128x128xf32>
    }
    %scan3A_5 = arith.constant 250 : i32
    %add3A = arith.addf %scan3A_4#0, %scan3A_4#1 : vector<128x128xf32>
    %swap3A = arith.constant 0 : index
    %swap3A_6 = arith.constant 0 : index
    %swap3A_7 = vector.load %arg1[%swap3A, %swap3A_6] : memref<128x128xf32, #tpu.memory_space<vmem>>, vector<128x128xf32>
    tpu.vector_store %arg1[%swap3A, %swap3A_6], %add3A {strides = array<i32>} : memref<128x128xf32, #tpu.memory_space<vmem>>, vector<128x128xf32>,
    return
  }
}

module attributes {stable_mosaic.version = 14 : i64} {
  func.func @_y_body(%arg0: i32, %arg1: memref<2000x128xf32, #tpu.memory_space<vmem>>, %arg2: memref<128x128xf32, #tpu.memory_space<vmem>>, %arg3: memref<2000x1xf32, #tpu.memory_space<vmem>>, %arg4: memref<2000x128xf32, #tpu.memory_space<vmem>>) attributes {dimension_semantics = [#tpu.dimension_semantics<arbitrary>], iteration_bounds = array<i64: 5>, scalar_prefetch = 0 : i64, scratch_operands = 0 : i64, tpu.core_type = #tpu.core_type<tc>, window_params = [{transform_indices = @transform_0, window_bounds = array<i64: 2000, 128>}, {pipeline_mode = #tpu.pipeline_mode<synchronous>, transform_indices = @transform_1, window_bounds = array<i64: 128, 128>}, {transform_indices = @transform_2, window_bounds = array<i64: 2000, 1>}, {transform_indices = @transform_3, window_bounds = array<i64: 2000, 128>}]} {
    %get3A = arith.constant 0 : index
    %get3A_0 = arith.constant 0 : index
    %get3A_1 = vector.load %arg1[%get3A, %get3A_0] : memref<2000x128xf32, #tpu.memory_space<vmem>>, vector<2000x128xf32>
    %get3A_2 = arith.constant 0 : index
    %get3A_3 = arith.constant 0 : index
    %get3A_4 = vector.load %arg2[%get3A_2, %get3A_3] : memref<128x128xf32, #tpu.memory_space<vmem>>, vector<128x128xf32>
    %dot_general3A = arith.constant dense<0.000000e+00> : vector<2000x128xf32>
    %dot_general3A_5 = tpu.matmul %get3A_1, %get3A_4, %dot_general3A {dimension_numbers = #tpu.dot_dimension_numbers<[1], [0], [0], [1], [0, 0, 1, 1], [], []>, transpose_lhs_hint = false} : vector<2000x128xf32>, vector<128x128xf32>, vector<2000x128xf32> -> vector<2000x128xf32>
    %get3A_6 = arith.constant 0 : index
    %get3A_7 = arith.constant 0 : index
    %get3A_8 = vector.load %arg3[%get3A_6, %get3A_7] : memref<2000x1xf32, #tpu.memory_space<vmem>>, vector<2000x1xf32>
    %add3A = arith.constant 1.000000e+00 : f32
    %add3A_9 = vector.broadcast %add3A : f32 to vector<2000x1xf32>
    %add3A_10 = arith.addf %get3A_8, %add3A_9 : vector<2000x1xf32>
    %rsqrt3A = math.rsqrt %add3A_10 : vector<2000x1xf32>
    %mul3A = vector.broadcast %rsqrt3A : vector<2000x1xf32> to vector<2000x128xf32>
    %mul3A_11 = arith.mulf %dot_general3A_5, %mul3A : vector<2000x128xf32>
    %swap3A = arith.constant 0 : index
    %swap3A_12 = arith.constant 0 : index
    %swap3A_13 = vector.load %arg4[%swap3A, %swap3A_12] : memref<2000x128xf32, #tpu.memory_space<vmem>>, vector<2000x128xf32>
    tpu.vector_store %arg4[%swap3A, %swap3A_12], %mul3A_11 {strides = array<i32>} : memref<2000x128xf32, #tpu.memory_space<vmem>>, vector<2000x128xf32>,
    return
  }
  func.func @transform_0(%arg0: i32) -> (i32, i32) {
    %c0_i32 = arith.constant 0 : i32
    %c0_i32_0 = arith.constant 0 : i32
    return %arg0, %c0_i32 : i32, i32
  }
  func.func @transform_1(%arg0: i32) -> (i32, i32) {
    %c0_i32 = arith.constant 0 : i32
    %c0_i32_0 = arith.constant 0 : i32
    %c0_i32_1 = arith.constant 0 : i32
    return %c0_i32, %c0_i32_0 : i32, i32
  }
  func.func @transform_2(%arg0: i32) -> (i32, i32) {
    %c0_i32 = arith.constant 0 : i32
    %c0_i32_0 = arith.constant 0 : i32
    return %arg0, %c0_i32 : i32, i32
  }
  func.func @transform_3(%arg0: i32) -> (i32, i32) {
    %c0_i32 = arith.constant 0 : i32
    %c0_i32_0 = arith.constant 0 : i32
    return %arg0, %c0_i32 : i32, i32
  }
}

module attributes {stable_mosaic.version = 14 : i64} {
  func.func @_final_body(%arg0: memref<2x10000x128xf32, #tpu.memory_space<vmem>>, %arg1: memref<10000x128xf32, #tpu.memory_space<vmem>>, %arg2: memref<10000x1xf32, #tpu.memory_space<vmem>>, %arg3: memref<1x128xf32, #tpu.memory_space<vmem>>, %arg4: memref<128x64xf32, #tpu.memory_space<vmem>>, %arg5: memref<1x64xf32, #tpu.memory_space<vmem>>, %arg6: memref<64x64xf32, #tpu.memory_space<vmem>>, %arg7: memref<1x64xf32, #tpu.memory_space<vmem>>, %arg8: memref<1x64xf32, #tpu.memory_space<vmem>>, %arg9: memref<1x1xf32, #tpu.memory_space<vmem>>, %arg10: memref<1x1xf32, #tpu.memory_space<vmem>>, %arg11: memref<10000x128xi32, #tpu.memory_space<vmem>>) attributes {dimension_semantics = [], scalar_prefetch = 0 : i64, scratch_operands = 1 : i64, tpu.core_type = #tpu.core_type<tc>} {
    %get3A = arith.constant 0 : index
    %get3A_0 = arith.constant 0 : index
    %get3A_1 = vector.load %arg2[%get3A, %get3A_0] : memref<10000x1xf32, #tpu.memory_space<vmem>>, vector<10000x1xf32>
    %add3A = arith.constant 1.000000e+00 : f32
    %add3A_2 = vector.broadcast %add3A : f32 to vector<10000x1xf32>
    %add3A_3 = arith.addf %get3A_1, %add3A_2 : vector<10000x1xf32>
    %rsqrt3A = math.rsqrt %add3A_3 : vector<10000x1xf32>
    %get3A_4 = arith.constant 0 : index
    %get3A_5 = arith.constant 0 : index
    %get3A_6 = arith.constant 0 : index
    %get3A_7 = vector.load %arg0[%get3A_4, %get3A_5, %get3A_6] : memref<2x10000x128xf32, #tpu.memory_space<vmem>>, vector<1x10000x128xf32>
    %get3A_8 = vector.shape_cast %get3A_7 : vector<1x10000x128xf32> to vector<10000x128xf32>
    %get3A_9 = arith.constant 1 : index
    %get3A_10 = arith.constant 0 : index
    %get3A_11 = arith.constant 0 : index
    %get3A_12 = vector.load %arg0[%get3A_9, %get3A_10, %get3A_11] : memref<2x10000x128xf32, #tpu.memory_space<vmem>>, vector<1x10000x128xf32>
    %get3A_13 = vector.shape_cast %get3A_12 : vector<1x10000x128xf32> to vector<10000x128xf32>
    %add3A_14 = arith.addf %get3A_8, %get3A_13 : vector<10000x128xf32>
    %get3A_15 = arith.constant 0 : index
    %get3A_16 = arith.constant 0 : index
    %get3A_17 = vector.load %arg1[%get3A_15, %get3A_16] : memref<10000x128xf32, #tpu.memory_space<vmem>>, vector<10000x128xf32>
    %add3A_18 = arith.addf %add3A_14, %get3A_17 : vector<10000x128xf32>
    %mul3A = vector.broadcast %rsqrt3A : vector<10000x1xf32> to vector<10000x128xf32>
    %mul3A_19 = arith.mulf %add3A_18, %mul3A : vector<10000x128xf32>
    %get3A_20 = arith.constant 0 : index
    %get3A_21 = arith.constant 0 : index
    %get3A_22 = vector.load %arg3[%get3A_20, %get3A_21] : memref<1x128xf32, #tpu.memory_space<vmem>>, vector<1x128xf32>
    %add3A_23 = vector.broadcast %get3A_22 : vector<1x128xf32> to vector<10000x128xf32>
    %add3A_24 = arith.addf %mul3A_19, %add3A_23 : vector<10000x128xf32>
    %bitcast_convert_type3A = tpu.bitcast %add3A_24 : vector<10000x128xf32> -> vector<10000x128xi32>
    %ge3A = arith.constant 0 : i32
    %ge3A_25 = vector.broadcast %ge3A : i32 to vector<10000x128xi32>
    %ge3A_26 = arith.cmpi sge, %bitcast_convert_type3A, %ge3A_25 : vector<10000x128xi32>
    %xor3A = arith.constant -2147483648 : i32
    %xor3A_27 = vector.broadcast %xor3A : i32 to vector<10000x128xi32>
    %xor3A_28 = arith.xori %bitcast_convert_type3A, %xor3A_27 : vector<10000x128xi32>
    %not3A = arith.constant dense<-1> : vector<10000x128xi32>
    %not3A_29 = arith.xori %bitcast_convert_type3A, %not3A : vector<10000x128xi32>
    %select_n3A = arith.select %ge3A_26, %xor3A_28, %not3A_29 : vector<10000x128xi1>, vector<10000x128xi32>
    %swap3A = arith.constant 0 : index
    %swap3A_30 = arith.constant 0 : index
    %swap3A_31 = vector.load %arg11[%swap3A, %swap3A_30] : memref<10000x128xi32, #tpu.memory_space<vmem>>, vector<10000x128xi32>
    tpu.vector_store %arg11[%swap3A, %swap3A_30], %select_n3A {strides = array<i32>} : memref<10000x128xi32, #tpu.memory_space<vmem>>, vector<10000x128xi32>,
    %broadcast_in_dim3A = arith.constant 0 : i32
    %broadcast_in_dim3A_32 = vector.broadcast %broadcast_in_dim3A : i32 to vector<1x128xi32>
    %broadcast_in_dim3A_33 = arith.constant 4.999000e+03 : f32
    %broadcast_in_dim3A_34 = vector.broadcast %broadcast_in_dim3A_33 : f32 to vector<1x128xf32>
    %scan3A = arith.constant 0 : i32
    %scan3A_35 = arith.constant 0 : i32
    %scan3A_36 = arith.constant 16 : i32
    %scan3A_37 = arith.addi %scan3A_35, %scan3A_36 : i32
    %scan3A_38 = arith.constant 1 : i32
    %scan3A_39:3 = scf.for %scan3A_128 = %scan3A_35 to %scan3A_37 step %scan3A_38 iter_args(%scan3A_129 = %broadcast_in_dim3A_32, %scan3A_130 = %broadcast_in_dim3A_34, %scan3A_131 = %scan3A) -> (vector<1x128xi32>, vector<1x128xf32>, i32)  : i32 {
      %mul3A_132 = arith.constant 2 : i32
      %mul3A_133 = arith.muli %mul3A_132, %scan3A_128 : i32
      %sub3A_134 = arith.constant 30 : i32
      %sub3A_135 = arith.subi %sub3A_134, %mul3A_133 : i32
      %shift_left3A = arith.constant 3 : i32
      %shift_left3A_136 = arith.shli %shift_left3A, %sub3A_135 : i32
      %shift_left3A_137 = arith.constant 1 : i32
      %shift_left3A_138 = arith.shli %shift_left3A_137, %sub3A_135 : i32
      %shift_left3A_139 = arith.constant 2 : i32
      %shift_left3A_140 = arith.shli %shift_left3A_139, %sub3A_135 : i32
      %get3A_141 = arith.constant 0 : index
      %get3A_142 = arith.constant 0 : index
      %get3A_143 = vector.load %arg11[%get3A_141, %get3A_142] : memref<10000x128xi32, #tpu.memory_space<vmem>>, vector<10000x128xi32>
      %or3A = arith.ori %scan3A_131, %shift_left3A_136 : i32
      %and3A = vector.broadcast %or3A : i32 to vector<10000x128xi32>
      %and3A_144 = arith.andi %get3A_143, %and3A : vector<10000x128xi32>
      %or3A_145 = vector.broadcast %shift_left3A_138 : i32 to vector<1x128xi32>
      %or3A_146 = arith.ori %scan3A_129, %or3A_145 : vector<1x128xi32>
      %or3A_147 = vector.broadcast %shift_left3A_140 : i32 to vector<1x128xi32>
      %or3A_148 = arith.ori %scan3A_129, %or3A_147 : vector<1x128xi32>
      %eq3A_149 = vector.broadcast %scan3A_129 : vector<1x128xi32> to vector<10000x128xi32>
      %eq3A_150 = arith.cmpi eq, %and3A_144, %eq3A_149 : vector<10000x128xi32>
      %jit3A_151 = arith.constant 1.000000e+00 : f32
      %jit3A_152 = arith.constant 0.000000e+00 : f32
      %broadcast_in_dim3A_153 = vector.broadcast %jit3A_151 : f32 to vector<10000x128xf32>
      %broadcast_in_dim3A_154 = vector.broadcast %jit3A_152 : f32 to vector<10000x128xf32>
      %select_n3A_155 = arith.select %eq3A_150, %broadcast_in_dim3A_153, %broadcast_in_dim3A_154 : vector<10000x128xi1>, vector<10000x128xf32>
      %reduce_sum3A_156 = arith.constant dense<0.000000e+00> : vector<128xf32>
      %reduce_sum3A_157 = vector.multi_reduction <add>, %select_n3A_155, %reduce_sum3A_156 [0] : vector<10000x128xf32> to vector<128xf32>
      %broadcast_in_dim3A_158 = vector.shape_cast %reduce_sum3A_157 : vector<128xf32> to vector<1x128xf32>
      %eq3A_159 = vector.broadcast %or3A_146 : vector<1x128xi32> to vector<10000x128xi32>
      %eq3A_160 = arith.cmpi eq, %and3A_144, %eq3A_159 : vector<10000x128xi32>
      %jit3A_161 = arith.constant 1.000000e+00 : f32
      %jit3A_162 = arith.constant 0.000000e+00 : f32
      %broadcast_in_dim3A_163 = vector.broadcast %jit3A_161 : f32 to vector<10000x128xf32>
      %broadcast_in_dim3A_164 = vector.broadcast %jit3A_162 : f32 to vector<10000x128xf32>
      %select_n3A_165 = arith.select %eq3A_160, %broadcast_in_dim3A_163, %broadcast_in_dim3A_164 : vector<10000x128xi1>, vector<10000x128xf32>
      %reduce_sum3A_166 = arith.constant dense<0.000000e+00> : vector<128xf32>
      %reduce_sum3A_167 = vector.multi_reduction <add>, %select_n3A_165, %reduce_sum3A_166 [0] : vector<10000x128xf32> to vector<128xf32>
      %broadcast_in_dim3A_168 = vector.shape_cast %reduce_sum3A_167 : vector<128xf32> to vector<1x128xf32>
      %eq3A_169 = vector.broadcast %or3A_148 : vector<1x128xi32> to vector<10000x128xi32>
      %eq3A_170 = arith.cmpi eq, %and3A_144, %eq3A_169 : vector<10000x128xi32>
      %jit3A_171 = arith.constant 1.000000e+00 : f32
      %jit3A_172 = arith.constant 0.000000e+00 : f32
      %broadcast_in_dim3A_173 = vector.broadcast %jit3A_171 : f32 to vector<10000x128xf32>
      %broadcast_in_dim3A_174 = vector.broadcast %jit3A_172 : f32 to vector<10000x128xf32>
      %select_n3A_175 = arith.select %eq3A_170, %broadcast_in_dim3A_173, %broadcast_in_dim3A_174 : vector<10000x128xi1>, vector<10000x128xf32>
      %reduce_sum3A_176 = arith.constant dense<0.000000e+00> : vector<128xf32>
      %reduce_sum3A_177 = vector.multi_reduction <add>, %select_n3A_175, %reduce_sum3A_176 [0] : vector<10000x128xf32> to vector<128xf32>
      %broadcast_in_dim3A_178 = vector.shape_cast %reduce_sum3A_177 : vector<128xf32> to vector<1x128xf32>
      %add3A_179 = arith.addf %broadcast_in_dim3A_158, %broadcast_in_dim3A_168 : vector<1x128xf32>
      %add3A_180 = arith.addf %add3A_179, %broadcast_in_dim3A_178 : vector<1x128xf32>
      %ge3A_181 = arith.cmpf oge, %scan3A_130, %broadcast_in_dim3A_158 : vector<1x128xf32>
      %lt3A_182 = arith.cmpf olt, %scan3A_130, %add3A_179 : vector<1x128xf32>
      %and3A_183 = arith.andi %ge3A_181, %lt3A_182 : vector<1x128xi1>
      %ge3A_184 = arith.cmpf oge, %scan3A_130, %add3A_179 : vector<1x128xf32>
      %lt3A_185 = arith.cmpf olt, %scan3A_130, %add3A_180 : vector<1x128xf32>
      %and3A_186 = arith.andi %ge3A_184, %lt3A_185 : vector<1x128xi1>
      %ge3A_187 = arith.cmpf oge, %scan3A_130, %add3A_180 : vector<1x128xf32>
      %broadcast_in_dim3A_188 = arith.constant 0 : i32
      %broadcast_in_dim3A_189 = vector.broadcast %broadcast_in_dim3A_188 : i32 to vector<1x128xi32>
      %broadcast_in_dim3A_190 = vector.broadcast %shift_left3A_138 : i32 to vector<1x128xi32>
      %select_n3A_191 = arith.select %and3A_183, %broadcast_in_dim3A_190, %broadcast_in_dim3A_189 : vector<1x128xi1>, vector<1x128xi32>
      %or3A_192 = arith.ori %scan3A_129, %select_n3A_191 : vector<1x128xi32>
      %broadcast_in_dim3A_193 = vector.broadcast %shift_left3A_140 : i32 to vector<1x128xi32>
      %select_n3A_194 = arith.select %and3A_186, %broadcast_in_dim3A_193, %broadcast_in_dim3A_189 : vector<1x128xi1>, vector<1x128xi32>
      %or3A_195 = arith.ori %or3A_192, %select_n3A_194 : vector<1x128xi32>
      %broadcast_in_dim3A_196 = vector.broadcast %shift_left3A_136 : i32 to vector<1x128xi32>
      %select_n3A_197 = arith.select %ge3A_187, %broadcast_in_dim3A_196, %broadcast_in_dim3A_189 : vector<1x128xi1>, vector<1x128xi32>
      %or3A_198 = arith.ori %or3A_195, %select_n3A_197 : vector<1x128xi32>
      %broadcast_in_dim3A_199 = arith.constant 0.000000e+00 : f32
      %broadcast_in_dim3A_200 = vector.broadcast %broadcast_in_dim3A_199 : f32 to vector<1x128xf32>
      %select_n3A_201 = arith.select %and3A_183, %broadcast_in_dim3A_158, %broadcast_in_dim3A_200 : vector<1x128xi1>, vector<1x128xf32>
      %select_n3A_202 = arith.select %and3A_186, %add3A_179, %broadcast_in_dim3A_200 : vector<1x128xi1>, vector<1x128xf32>
      %add3A_203 = arith.addf %select_n3A_201, %select_n3A_202 : vector<1x128xf32>
      %select_n3A_204 = arith.select %ge3A_187, %add3A_180, %broadcast_in_dim3A_200 : vector<1x128xi1>, vector<1x128xf32>
      %add3A_205 = arith.addf %add3A_203, %select_n3A_204 : vector<1x128xf32>
      %sub3A_206 = arith.subf %scan3A_130, %add3A_205 : vector<1x128xf32>
      %or3A_207 = arith.ori %scan3A_131, %shift_left3A_136 : i32
      scf.yield %or3A_198, %sub3A_206, %or3A_207 : vector<1x128xi32>, vector<1x128xf32>, i32
    }
    %scan3A_40 = arith.constant 16 : i32
    %get3A_41 = arith.constant 0 : index
    %get3A_42 = arith.constant 0 : index
    %get3A_43 = vector.load %arg11[%get3A_41, %get3A_42] : memref<10000x128xi32, #tpu.memory_space<vmem>>, vector<10000x128xi32>
    %lt3A = arith.constant 0 : i32
    %lt3A_44 = vector.broadcast %lt3A : i32 to vector<1x128xi32>
    %lt3A_45 = arith.cmpi slt, %scan3A_39#0, %lt3A_44 : vector<1x128xi32>
    %xor3A_46 = arith.constant -2147483648 : i32
    %xor3A_47 = vector.broadcast %xor3A_46 : i32 to vector<1x128xi32>
    %xor3A_48 = arith.xori %scan3A_39#0, %xor3A_47 : vector<1x128xi32>
    %not3A_49 = arith.constant dense<-1> : vector<1x128xi32>
    %not3A_50 = arith.xori %scan3A_39#0, %not3A_49 : vector<1x128xi32>
    %select_n3A_51 = arith.select %lt3A_45, %xor3A_48, %not3A_50 : vector<1x128xi1>, vector<1x128xi32>
    %bitcast_convert_type3A_52 = tpu.bitcast %select_n3A_51 : vector<1x128xi32> -> vector<1x128xf32>
    %eq3A = vector.broadcast %scan3A_39#0 : vector<1x128xi32> to vector<10000x128xi32>
    %eq3A_53 = arith.cmpi eq, %get3A_43, %eq3A : vector<10000x128xi32>
    %jit3A = arith.constant 1.000000e+00 : f32
    %jit3A_54 = arith.constant 0.000000e+00 : f32
    %broadcast_in_dim3A_55 = vector.broadcast %jit3A : f32 to vector<10000x128xf32>
    %broadcast_in_dim3A_56 = vector.broadcast %jit3A_54 : f32 to vector<10000x128xf32>
    %select_n3A_57 = arith.select %eq3A_53, %broadcast_in_dim3A_55, %broadcast_in_dim3A_56 : vector<10000x128xi1>, vector<10000x128xf32>
    %reduce_sum3A = arith.constant dense<0.000000e+00> : vector<128xf32>
    %reduce_sum3A_58 = vector.multi_reduction <add>, %select_n3A_57, %reduce_sum3A [0] : vector<10000x128xf32> to vector<128xf32>
    %broadcast_in_dim3A_59 = vector.shape_cast %reduce_sum3A_58 : vector<128xf32> to vector<1x128xf32>
    %sub3A = arith.constant 4.999000e+03 : f32
    %sub3A_60 = vector.broadcast %sub3A : f32 to vector<1x128xf32>
    %sub3A_61 = arith.subf %sub3A_60, %scan3A_39#1 : vector<1x128xf32>
    %add3A_62 = arith.addf %sub3A_61, %broadcast_in_dim3A_59 : vector<1x128xf32>
    %ge3A_63 = arith.constant 5.001000e+03 : f32
    %ge3A_64 = vector.broadcast %ge3A_63 : f32 to vector<1x128xf32>
    %ge3A_65 = arith.cmpf oge, %add3A_62, %ge3A_64 : vector<1x128xf32>
    %xor3A_66 = arith.constant -2147483648 : i32
    %xor3A_67 = vector.broadcast %xor3A_66 : i32 to vector<10000x128xi32>
    %xor3A_68 = arith.xori %get3A_43, %xor3A_67 : vector<10000x128xi32>
    %xor3A_69 = arith.constant -2147483648 : i32
    %xor3A_70 = vector.broadcast %xor3A_69 : i32 to vector<1x128xi32>
    %xor3A_71 = arith.xori %scan3A_39#0, %xor3A_70 : vector<1x128xi32>
    %gt3A = vector.broadcast %xor3A_71 : vector<1x128xi32> to vector<10000x128xi32>
    %gt3A_72 = arith.cmpi sgt, %xor3A_68, %gt3A : vector<10000x128xi32>
    %jit3A_73 = arith.constant 2147483647 : i32
    %broadcast_in_dim3A_74 = vector.broadcast %jit3A_73 : i32 to vector<10000x128xi32>
    %select_n3A_75 = arith.select %gt3A_72, %xor3A_68, %broadcast_in_dim3A_74 : vector<10000x128xi1>, vector<10000x128xi32>
    %reduce_min3A = arith.constant dense<2147483647> : vector<128xi32>
    %reduce_min3A_76 = vector.multi_reduction <minsi>, %select_n3A_75, %reduce_min3A [0] : vector<10000x128xi32> to vector<128xi32>
    %broadcast_in_dim3A_77 = vector.shape_cast %reduce_min3A_76 : vector<128xi32> to vector<1x128xi32>
    %xor3A_78 = arith.constant -2147483648 : i32
    %xor3A_79 = vector.broadcast %xor3A_78 : i32 to vector<1x128xi32>
    %xor3A_80 = arith.xori %broadcast_in_dim3A_77, %xor3A_79 : vector<1x128xi32>
    %lt3A_81 = arith.constant 0 : i32
    %lt3A_82 = vector.broadcast %lt3A_81 : i32 to vector<1x128xi32>
    %lt3A_83 = arith.cmpi slt, %xor3A_80, %lt3A_82 : vector<1x128xi32>
    %xor3A_84 = arith.constant -2147483648 : i32
    %xor3A_85 = vector.broadcast %xor3A_84 : i32 to vector<1x128xi32>
    %xor3A_86 = arith.xori %xor3A_80, %xor3A_85 : vector<1x128xi32>
    %not3A_87 = arith.constant dense<-1> : vector<1x128xi32>
    %not3A_88 = arith.xori %xor3A_80, %not3A_87 : vector<1x128xi32>
    %select_n3A_89 = arith.select %lt3A_83, %xor3A_86, %not3A_88 : vector<1x128xi1>, vector<1x128xi32>
    %bitcast_convert_type3A_90 = tpu.bitcast %select_n3A_89 : vector<1x128xi32> -> vector<1x128xf32>
    %select_n3A_91 = arith.select %ge3A_65, %bitcast_convert_type3A_52, %bitcast_convert_type3A_90 : vector<1x128xi1>, vector<1x128xf32>
    %add3A_92 = arith.addf %bitcast_convert_type3A_52, %select_n3A_91 : vector<1x128xf32>
    %mul3A_93 = arith.constant 5.000000e-01 : f32
    %mul3A_94 = vector.broadcast %mul3A_93 : f32 to vector<1x128xf32>
    %mul3A_95 = arith.mulf %mul3A_94, %add3A_92 : vector<1x128xf32>
    %get3A_96 = arith.constant 0 : index
    %get3A_97 = arith.constant 0 : index
    %get3A_98 = vector.load %arg4[%get3A_96, %get3A_97] : memref<128x64xf32, #tpu.memory_space<vmem>>, vector<128x64xf32>
    %dot_general3A = arith.constant dense<0.000000e+00> : vector<1x64xf32>
    %dot_general3A_99 = tpu.matmul %mul3A_95, %get3A_98, %dot_general3A {dimension_numbers = #tpu.dot_dimension_numbers<[1], [0], [0], [1], [0, 0, 1, 1], [], []>, transpose_lhs_hint = false} : vector<1x128xf32>, vector<128x64xf32>, vector<1x64xf32> -> vector<1x64xf32>
    %get3A_100 = arith.constant 0 : index
    %get3A_101 = arith.constant 0 : index
    %get3A_102 = vector.load %arg5[%get3A_100, %get3A_101] : memref<1x64xf32, #tpu.memory_space<vmem>>, vector<1x64xf32>
    %add3A_103 = arith.addf %dot_general3A_99, %get3A_102 : vector<1x64xf32>
    %tanh3A = math.tanh %add3A_103 : vector<1x64xf32>
    %get3A_104 = arith.constant 0 : index
    %get3A_105 = arith.constant 0 : index
    %get3A_106 = vector.load %arg6[%get3A_104, %get3A_105] : memref<64x64xf32, #tpu.memory_space<vmem>>, vector<64x64xf32>
    %dot_general3A_107 = arith.constant dense<0.000000e+00> : vector<1x64xf32>
    %dot_general3A_108 = tpu.matmul %tanh3A, %get3A_106, %dot_general3A_107 {dimension_numbers = #tpu.dot_dimension_numbers<[1], [0], [0], [1], [0, 0, 1, 1], [], []>, transpose_lhs_hint = false} : vector<1x64xf32>, vector<64x64xf32>, vector<1x64xf32> -> vector<1x64xf32>
    %get3A_109 = arith.constant 0 : index
    %get3A_110 = arith.constant 0 : index
    %get3A_111 = vector.load %arg7[%get3A_109, %get3A_110] : memref<1x64xf32, #tpu.memory_space<vmem>>, vector<1x64xf32>
    %add3A_112 = arith.addf %dot_general3A_108, %get3A_111 : vector<1x64xf32>
    %tanh3A_113 = math.tanh %add3A_112 : vector<1x64xf32>
    %get3A_114 = arith.constant 0 : index
    %get3A_115 = arith.constant 0 : index
    %get3A_116 = vector.load %arg8[%get3A_114, %get3A_115] : memref<1x64xf32, #tpu.memory_space<vmem>>, vector<1x64xf32>
    %mul3A_117 = arith.mulf %tanh3A_113, %get3A_116 : vector<1x64xf32>
    %reduce_sum3A_118 = arith.constant dense<0.000000e+00> : vector<1xf32>
    %reduce_sum3A_119 = vector.multi_reduction <add>, %mul3A_117, %reduce_sum3A_118 [1] : vector<1x64xf32> to vector<1xf32>
    %broadcast_in_dim3A_120 = vector.shape_cast %reduce_sum3A_119 : vector<1xf32> to vector<1x1xf32>
    %get3A_121 = arith.constant 0 : index
    %get3A_122 = arith.constant 0 : index
    %get3A_123 = vector.load %arg9[%get3A_121, %get3A_122] : memref<1x1xf32, #tpu.memory_space<vmem>>, vector<1x1xf32>
    %add3A_124 = arith.addf %broadcast_in_dim3A_120, %get3A_123 : vector<1x1xf32>
    %swap3A_125 = arith.constant 0 : index
    %swap3A_126 = arith.constant 0 : index
    %swap3A_127 = vector.load %arg10[%swap3A_125, %swap3A_126] : memref<1x1xf32, #tpu.memory_space<vmem>>, vector<1x1xf32>
    tpu.vector_store %arg10[%swap3A_125, %swap3A_126], %add3A_124 {strides = array<i32>} : memref<1x1xf32, #tpu.memory_space<vmem>>, vector<1x1xf32>,
    return
  }
}

</mosaic_0001>

<sc_bundles>
// kernel: kernel.6.cloned.1.call-start
scs
__scs_entry_jumppad:
0x0: {  	(pc) =	sbr.rel $0x88, $3  }
0x1: {  	(tag) =	ssettag $0x0;
	lr =	simm.s32 $0x1  }
0x2: {  	[smem:$0x3F97] =	sst lr;
	_ =	strace $0xD0000000  }
0x3: {  	_ = 	snop  }
0x4: {  	_ = 	snop  }
0x5: {  	_ = 	snop  }
0x6: {  	_ = 	snop  }
0x7: {  	_ = 	snop  }
__scs_overlays_trampoline_lowered:
0x8: {  	[smem:$0x3FA6] =	sst s0  }
0x9: {  	[smem:$0x3FA7] =	sst s1  }
0xa: {  	[smem:$0x3FA8] =	sst s2  }
0xb: {  	[smem:$0x3FA9] =	sst s3  }
0xc: {  	[smem:$0x3FAA] =	sst s4  }
0xd: {  	[smem:$0x3FAB] =	sst s5  }
0xe: {  	[smem:$0x3FAC] =	sst s6  }
0xf: {  	[smem:$0x3FAD] =	sst s7  }
0x10: {  	[smem:$0x3FAE] =	sst s8  }
0x11: {  	[smem:$0x3FAF] =	sst s9;
	s0 =	simm.s32 @!p0 $0x0  }
0x12: {  	s1 =	sld [smem:$0x3F95];
	s0 =	simm.s32 @p0 $0x1  }
0x13: {  	[smem:$0x3FB0] =	sst s0;
	s0 =	simm.s32 @!p1 $0x0  }
0x14: {  	s2 =	sld [smem:$0x3F94];
	s0 =	simm.s32 @p1 $0x1  }
0x15: {  	[smem:$0x3FB1] =	sst s0;
	s0 =	simm.s32 @!p2 $0x0  }
0x16: {  	s3 =	sld [smem:$0x3FDB];
	s0 =	simm.s32 @p2 $0x1  }
0x17: {  	s4 =	simm.s32 $0x1BF5;
	[smem:$0x3FB3] =	sst s0  }
0x18: {  	s0 =	sld [smem:$0x3F96];
	_ =	swait.ge [sflag:s4], $0x0  }
0x19: {  	s7 =	sld [smem:$0x3F97]  }
0x1a: {  	s8 =	sadd.s32 $0xFFFFE003, lr  }
0x1b: {  	s9 =	sadd.s32 $0xFFFFFEF7, lr;
	s5 =	simm.s32 $0xFFFFFFFF;
	p2 =	slt.u32 s8, $0xFFFFF086  }
0x1c: {  	p1 =	slt.u32 s9, $0xF7A;
	s5 =	simm.s32 @!p2 $0x0  }
0x1d: {  	s5 =	simm.s32 @p1 $0x1;
	p0 =	seq.s32 s7, s2  }
0x1e: {  	s7 =	smul.u32 @!p0 $0xF7A, s2;
	p2 =	seq.s32 @!p0 s5, $0x0  }
0x1f: {  	s9 =	smul.u32 $0xF7A, s1;
	s8 =	simm.s32 @!p0 $0x1BF5;
	p2 =	por !p2, p0  }
0x20: {  	[sflag:s8] =	ssyncset.s32 @!p0 $0xFFFFF086;
	s6 =	sadd.s32 @!p0 s3, s7;
	s7 =	simm.s32 @!p0 $0x108  }
0x21: {  	s3 =	sadd.s32 s3, s9;
	s6 =	sadd.s32 @!p0 $0x88, s6;
	s7 =	simm.s32 @p2 $0x1082  }
0x22: {  	[simem:s7], [sflag:s8] =	dma.local @!p0 [hbm:s6], $0xF7A  }
0x23: {  	s9 =	sor.u32 $0xD0000000, s2;
	s6 =	simm.s32 $0x108;
	_ =	swait.ge @!p0 [sflag:s8], $0x0  }
0x24: {  	s3 =	sadd.s32 $0x88, s3;
	s6 =	simm.s32 @!p1 $0x1082;
	[sflag:s4] =	ssyncset.s32 $0xFFFFF086  }
0x25: {  	[simem:s6], [sflag:s4] =	dma.local [hbm:s3], $0xF7A  }
0x26: {  	[smem:$0x3F97] =	sst s1;
	(tag) =	ssettag s2;
	_ =	strace s9  }
0x27: {  	s1 =	sld [smem:$0x3FA7]  }
0x28: {  	s2 =	sld [smem:$0x3FA8]  }
0x29: {  	s4 =	sld [smem:$0x3FAA]  }
0x2a: {  	p0 =	seq.s32 s5, $0x0;
	s5 =	sld [smem:$0x3FAB]  }
0x2b: {  	s6 =	sld [smem:$0x3FAC]  }
0x2c: {  	s7 =	sld [smem:$0x3FAD]  }
0x2d: {  	s3 =	simm.s32 $0x108;
	s8 =	sld [smem:$0x3FAE]  }
0x2e: {  	s3 =	simm.s32 @!p0 $0x1082;
	s9 =	sld [smem:$0x3FAF]  }
0x2f: {  	lr =	sadd.s32 s0, s3;
	s0 =	sld [smem:$0x3FA6]  }
0x30: {  	s3 =	sld [smem:$0x3FA9]  }
0x31: {  	[smem:$0x3FB2] =	sst s10  }
0x32: {  	s10 =	sld [smem:$0x3FB0];
	_ =	sdelay $0x3  }
0x33: {  	p0 =	seq.s32 s10, $0x1;
	s10 =	sld [smem:$0x3FB2];
	_ =	sdelay $0x3  }
0x34: {  	[smem:$0x3FB2] =	sst s10  }
0x35: {  	s10 =	sld [smem:$0x3FB1];
	_ =	sdelay $0x3  }
0x36: {  	p1 =	seq.s32 s10, $0x1;
	s10 =	sld [smem:$0x3FB2];
	_ =	sdelay $0x3  }
0x37: {  	[smem:$0x3FB2] =	sst s10  }
0x38: {  	s10 =	sld [smem:$0x3FB3]  }
0x39: {  	_ = 	snop;
	(pc) =	sbr.ind lr, $3  }
0x3a: {  	_ = 	snop  }
0x3b: {  	_ = 	snop  }
0x3c: {  	p2 =	seq.s32 s10, $0x1;
	s10 =	sld [smem:$0x3FB2]  }
0x3d: {  	_ =	shalt  }
0x3e: {  	_ =	shalt  }
0x3f: {  	_ =	shalt  }
0x40: {  	_ =	shalt  }
0x41: {  	_ =	shalt  }
0x42: {  	_ =	shalt  }
0x43: {  	_ =	shalt  }
0x44: {  	_ =	shalt  }
0x45: {  	_ =	shalt  }
0x46: {  	_ =	shalt  }
0x47: {  	_ =	shalt  }
0x48: {  	_ =	shalt  }
0x49: {  	_ =	shalt  }
0x4a: {  	_ =	shalt  }
0x4b: {  	_ =	shalt  }
0x4c: {  	_ =	shalt  }
0x4d: {  	_ =	shalt  }
0x4e: {  	_ =	shalt  }
0x4f: {  	_ =	shalt  }
0x50: {  	_ =	shalt  }
0x51: {  	_ =	shalt  }
0x52: {  	_ =	shalt  }
0x53: {  	_ =	shalt  }
0x54: {  	_ =	shalt  }
0x55: {  	_ =	shalt  }
0x56: {  	_ =	shalt  }
0x57: {  	_ =	shalt  }
0x58: {  	_ =	shalt  }
0x59: {  	_ =	shalt  }
0x5a: {  	_ =	shalt  }
0x5b: {  	_ =	shalt  }
0x5c: {  	_ =	shalt  }
0x5d: {  	_ =	shalt  }
0x5e: {  	_ =	shalt  }
0x5f: {  	_ =	shalt  }
0x60: {  	_ =	shalt  }
0x61: {  	_ =	shalt  }
0x62: {  	_ =	shalt  }
0x63: {  	_ =	shalt  }
0x64: {  	_ =	shalt  }
0x65: {  	_ =	shalt  }
0x66: {  	_ =	shalt  }
0x67: {  	_ =	shalt  }
0x68: {  	_ =	shalt  }
0x69: {  	_ =	shalt  }
0x6a: {  	_ =	shalt  }
0x6b: {  	_ =	shalt  }
0x6c: {  	_ =	shalt  }
0x6d: {  	_ =	shalt  }
0x6e: {  	_ =	shalt  }
0x6f: {  	_ =	shalt  }
0x70: {  	_ =	shalt  }
0x71: {  	_ =	shalt  }
0x72: {  	_ =	shalt  }
0x73: {  	_ =	shalt  }
0x74: {  	_ =	shalt  }
0x75: {  	_ =	shalt  }
0x76: {  	_ =	shalt  }
0x77: {  	_ =	shalt  }
0x78: {  	_ =	shalt  }
0x79: {  	_ =	shalt  }
0x7a: {  	_ =	shalt  }
0x7b: {  	_ =	shalt  }
0x7c: {  	_ =	shalt  }
0x7d: {  	_ =	shalt  }
0x7e: {  	_ =	shalt  }
0x7f: {  	_ =	shalt  }
0x80: {  	_ =	shalt  }
0x81: {  	_ =	shalt  }
0x82: {  	_ =	shalt  }
0x83: {  	_ =	shalt  }
0x84: {  	_ =	shalt  }
0x85: {  	_ =	shalt  }
0x86: {  	_ =	shalt  }
0x87: {  	_ =	shalt  }
.Lfunc_end0:
.L_simem_size_0:
called_computation_lowered:
.L_overlay_start_0:
0x88: {  	s2 =	sld [smem:$0x3FD9]  }
0x89: {  	s3 =	sld [smem:$0x3FFE];
	_ =	sdelay $0x1  }
0x8a: {  	s1 =	srdreg.scid  }
0x8b: {  	s0 =	sand.u32 $0x1, s1  }
0x8c: {  	s16 =	sshll.u32 s0, $0xA;
	s2 =	sadd.s32 s3, s2  }
0x8d: {  	s2 =	sadd.s32 s2, s16  }
0x8e: {  	[smem:$0x3FBE] =	sst s2  }
0x8f: {  	_ = 	snop  }
0x90: {  	(tm) =	ssettm $0x1  }
0x91: {  	s17 =	sld [smem:$0x3FFB];
	_ =	sdelay $0x3  }
0x92: {  	_ =	strace s17  }
0x93: {  	s2 =	sld [smem:$0x3FFC];
	_ =	sdelay $0x3  }
0x94: {  	_ =	strace s2  }
0x95: {  	s2 =	sld [smem:$0x3FFD];
	_ =	sdelay $0x3  }
0x96: {  	_ =	strace s2  }
0x97: {  	_ =	strace $0x8FFFFFFF  }
0x98: {  	s18 =	sld [smem:$0x3FDB];
	_ =	sdelay $0x1  }
0x99: {  	s19 =	simm.s32 $_scs_section_size  }
0x9a: {  	s4 =	simm.s32 $_size__tile_overlayer_lowered;
	s5 =	simm.s32 $_tile_overlayer_lowered  }
0x9b: {  	s22 =	simm.s32 $0x1BFF;
	s21 =	sshll.u32 s5, $0x1;
	s2 =	sadd.s32 s19, s18  }
0x9c: {  	s6 =	simm.s32 $0x0;
	s20 =	sshll.u32 s4, $0x1;
	s4 =	sadd.s32 s21, s2  }
0x9d: {  	[timem:s6], [sflag:s22] =	dma.local [hbm:s4], s20  }
0x9e: {  	_ =	swait.ge [sflag:s22], s20  }
0x9f: {  	s3 =	ssub.s32 $0x0, s20;
	[sflag:s22] =	ssyncset.done $0x0  }
0xa0: {  	[sflag:s22] =	ssyncadd.s32 s3;
	_ =	sdelay $0x1  }
0xa1: {  	s23 =	simm.s32 $0x1B8B  }
0xa2: {  	_ =	swait.ge [sflag:s23], $0x1  }
0xa3: {  	[sflag:s23] =	ssyncset.done $0x0  }
0xa4: {  	s25 =	simm.s32 $0x1B8E;
	s24 =	sld [smem:$0x3FFE];
	[sflag:s23] =	ssyncadd.s32 $0xFFFFFFFF  }
0xa5: {  	s26 =	simm.s32 $execute0_lowered;
	[smem:$0x3FD2] =	sst s25  }
0xa6: {  	s4 =	sshll.u32 s26, $0x1;
	_ =	strace $0x80000046;
	[dreg:$0x1] =	wrdreg $0xFFFFFFFF  }
0xa7: {  	s28 =	simm.s32 $_size_execute0_lowered;
	s2 =	sadd.s32 s2, s4;
	[dreg:$0x0] =	wrdreg $0x0  }
0xa8: {  	s4 =	sshll.u32 s28, $0x1;
	[dreg:$0x2] =	wrdreg s2  }
0xa9: {  	[dreg:$0x3] =	wrdreg s4  }
0xaa: {  	[dreg:$0x4] =	wrdreg $0xC0  }
0xab: {  	_ =	task [dreg:s6], $0x5FFFF  }
0xac: {  	[dreg:$0x1] =	wrdreg $0xFFFFFFFF  }
0xad: {  	[dreg:$0x0] =	wrdreg $0x60  }
0xae: {  	[dreg:$0x2] =	wrdreg s24  }
0xaf: {  	[dreg:$0x3] =	wrdreg $0xB1800  }
0xb0: {  	[dreg:$0x4] =	wrdreg $0x9  }
0xb1: {  	_ =	task.clear_ibuf [dreg:s6], $0x5FFFF;
	_ =	strace $0x90000046  }
0xb2: {  	s29 =	simm.s32 $0x9;
	_ =	strace $0x80000048  }
0xb3: {  	_ =	swait.ge [sflag:s29], $0x1  }
0xb4: {  	[sflag:s29] =	ssyncadd.s32 $0xFFFFFFFF  }
0xb5: {  	_ =	strace $0x90000048  }
0xb6: {  	_ =	sfence  }
0xb7: {  	s30 =	sld [smem:$0x0];
	_ =	sdelay $0x2  }
0xb8: {  	s31 =	sshll.u32 s1, $0xD;
	s1 =	sshrl.u32 s1, $0x2  }
0xb9: {  	s3 =	sand.u32 $0x4000, s31;
	s1 =	sadd.s32 s1, s30  }
0xba: {  	s0 =	sor.u32 s3, s0;
	s1 =	sshll.u32 s1, $0x11  }
0xbb: {  	s0 =	sor.u32 s1, s0  }
0xbc: {  	s0 =	sadd.s32 $0x8F2B, s0  }
0xbd: {  	[sflag:s0] =	ssyncadd.remote.s32 $0x1  }
0xbe: {  	_ =	sfence.sel $0xFFFF  }
0xbf: {  	[dreg:$0x0] =	wrdreg $0xFFFFFFFF;
	(pc) =	sbr.abs _section_cstart, $3  }
0xc0: {  	[dreg:$0x1] =	wrdreg $0xFFFFFFFF  }
0xc1: {  	_ =	task.clear_ibuf [dreg:s6], $0x2FFFF;
	_ =	strace $0x9FFFFFFF  }
0xc2: {  	(tm) =	ssettm $0x7FFFFFFF  }
0xc3: {  	_ =	shalt  }
tec
execute0_lowered:
.L_overlay_start_1:
0x0: {  	(tag) =	ssettag $0x1  }
0x1: {  	s0 =	rddreg [dreg:$0x0]  }
0x2: {  	s1 =	rddreg [dreg:$0x1];
	s2 =	simm.s32 $0x0;
	s4 =	srdreg.scid  }
0x3: {  	s13 =	stileid.u32;
	s28 =	simm.s32 $0x2800;
	s29 =	simm.s32 $0x2  }
0x4: {  	s30 =	simm.s32 $0x2880;
	s31 =	simm.s32 $0x2900;
	[smem:$0x7FF] =	sst s2  }
0x5: {  	s3 =	sadd.s32 $0x15600, s0;
	s5 =	sadd.s32 $0x1A00, s0;
	s8 =	sadd.s32 $0xB800, s0  }
0x6: {  	s4 =	sand.u32 $0x1, s4;
	s6 =	sadd.s32 $0x3C800, s0;
	s10 =	smul.u32 $0x4E000, s13  }
0x7: {  	s0 =	sadd.s32 $0x3F000, s0;
	s19 =	sshll.u32 s13, $0x6;
	s21 =	smul.u32 $0x13800, s13  }
0x8: {  	s14 =	sadd.s32 $0x138000, s1;
	s23 =	smul.u32 $0x2710, s13;
	p0 =	sne.s32 s13, $0xF  }
0x9: {  	_ =	strace $0x80000047;
	s7 =	ssub.s32 $0x2, s4;
	s20 =	smul.u32 $0x138800, s4  }
0xa: {  	s11 =	sshll.u32 s4, $0x4;
	[dreg:$0x3] =	wrdreg s14;
	s4 =	smul.u32 $0x27100, s4  }
0xb: {  	s9 =	sshrl.u32 s7, $0x1;
	s18 =	sor.u32 s13, s11;
	s10 =	sshrl.u32 s10, $0x2  }
0xc: {  	s9 =	ssub.s32 s7, s9;
	s12 =	smul.u32 $0x2710, s18;
	s10 =	sadd.s32 s10, s1  }
0xd: {  	s7 =	sor.u32 $0x1C03, s19;
	s24 =	sadd.s32 s21, s20;
	s11 =	sshrl.u32 s20, $0x3  }
0xe: {  	s4 =	sadd.s32 s23, s4;
	s20 =	simm.s32 $0x3;
	s21 =	simm.s32 $0x2700  }
0xf: {  	s23 =	simm.s32 $0x2780;
	s25 =	sadd.s32 $0x180, s4;
	s19 =	sshrl.u32 s10, $0x3  }
0x10: {  	s12 =	sshrl.u32 s12, $0x3;
	s26 =	sshrl.u32 s25, $0x3;
	s25 =	simm.s32 $0x1  }
0x11: {  	s15 =	sadd.s32 s8, s12;
	s22 =	sadd.s32 s5, s12;
	s12 =	sadd.s32 $0x4E0, s12  }
0x12: {  	s17 =	sadd.s32 s26, s5;
	s26 =	simm.s32 $0x80;
	[dreg:$0x4] =	wrdreg s15  }
0x13: {  	[dreg:$0x5] =	wrdreg s22;
	s15 =	sadd.s32 $0x10, s22;
	s16 =	sadd.s32 s5, s12  }
0x14: {  	s8 =	sadd.s32 s8, s12;
	s12 =	sadd.s32 $0x100, s4;
	[dreg:$0x6] =	wrdreg s15  }
.Ltmp0:
0x15: {  	s22 =	simm.s32 $0x2980;
	[dreg:$0x7] =	wrdreg s16;
	(pc) =	sbr.rel .LBB2_1-.Ltmp0, $4  }
0x16: {  	s4 =	simm.s32 $0xA980;
	[dreg:$0x8] =	wrdreg s8;
	s8 =	sshrl.u32 s24, $0x3  }
0x17: {  	s16 =	smax.u32 s9, $0x1;
	s8 =	sadd.s32 s0, s8;
	s0 =	sadd.s32 s0, s11  }
0x18: {  	s24 =	simm.s32 $0x6980;
	[dreg:$0x9] =	wrdreg s8;
	s0 =	sadd.s32 $0x27000, s0  }
0x19: {  	s8 =	simm.s32 $0x0;
	[dreg:$0xa] =	wrdreg s0;
	s0 =	simm.s32 $0x10  }
.LBB2_4:
0x1a: {  	s10 =	rddreg [dreg:$0x7]  }
0x1b: {  	[tilespmem:s30], [sflag:$0x3] =	stream.linear.gather [hbm4b:s10+s2], $0x10, $0x38;
	[tilespmem:$0x1EA00] =	vst v63  }
0x1c: {  	_ =	swait.ge [sflag:s20], $0x10  }
0x1d: {  	[sflag:s20] =	ssyncset.done $0x0  }
0x1e: {  	s15 =	rddreg [dreg:$0x8];
	[sflag:s20] =	ssyncadd.s32 $0xFFFFFFF0  }
0x1f: {  	[tilespmem:s31], [sflag:$0x3] =	stream.linear.gather [hbm4b:s15+s2], $0x10, $0x38;
	[tilespmem:$0x1EA00] =	vst v63  }
0x20: {  	_ =	swait.ge [sflag:s20], $0x10  }
0x21: {  	[sflag:s20] =	ssyncset.done $0x0  }
0x22: {  	[sflag:s20] =	ssyncadd.s32 $0xFFFFFFF0  }
0x23: {  	[tilespmem:s4], [sflag:$0x1] =	stream.indirect.gather [hbm4b:s3+s0], $0x80, s30, s0, $0xb8;
	[tilespmem:$0x1EA00] =	vst v63  }
0x24: {  	_ =	swait.ge [sflag:s25], $0x800  }
0x25: {  	[sflag:s25] =	ssyncset.done $0x0  }
0x26: {  	[sflag:s25] =	ssyncadd.s32 $0xFFFFF800  }
0x27: {  	[spmem:s1] =	stream.indirect.scatter.add.f32 [tilespmem:s4], [sflag:$0x3], $0x80, s31, s0, $0xb8;
	[tilespmem:$0x1EA00] =	vst v63  }
0x28: {  	_ =	swait.ge [sflag:s20], $0x800  }
0x29: {  	[sflag:s20] =	ssyncset.done $0x0  }
0x2a: {  	[sflag:s20] =	ssyncadd.s32 $0xFFFFF800  }
0x2b: {  	[bflag:$0x0] =	sbarrier.arrive $0xFFFF  }
0x2c: {  	s18 =	rddreg [dreg:$0x9]  }
0x2d: {  	[hbm:s18], [sflag:s7] =	dma.local [spmem:s19], $0x2700  }
0x2e: {  	_ =	swait.ge [sflag:s20], $0x2700  }
0x2f: {  	s8 =	sadd.s32 $0x1, s8;
	[sflag:s20] =	ssyncset.done $0x0  }
0x30: {  	p1 =	sne.s32 s8, s16;
	s10 =	rddreg [dreg:$0xa];
	[sflag:s20] =	ssyncadd.s32 $0xFFFFD900  }
0x31: {  	[hbm:s10], [sflag:s7] =	dma.local @!p0 [spmem:s9], $0x100  }
.Ltmp1:
0x32: {  	_ = 	snop;
	(pc) =	sbr.rel @!p1 .LBB2_5-.Ltmp1, $4  }
0x33: {  	s9 =	simm.s32 @!p0 $0x3  }
0x34: {  	_ =	swait.ge @!p0 [sflag:s9], $0x100  }
0x35: {  	[sflag:s9] =	ssyncset.done @!p0 $0x0  }
0x36: {  	[sflag:s9] =	ssyncadd.s32 @!p0 $0xFFFFFF00  }
.LBB2_1:
0x37: {  	[spmem:s19], [sflag:s7] =	dma.local [hbm:s6], $0x2700  }
0x38: {  	_ =	swait.ge [sflag:s20], $0x2700  }
0x39: {  	[sflag:s20] =	ssyncset.done $0x0;
	s9 =	rddreg [dreg:$0x3]  }
0x3a: {  	s10 =	simm.s32 @!p0 $0x3;
	[sflag:s20] =	ssyncadd.s32 $0xFFFFD900;
	s9 =	sshrl.u32 @!p0 s9, $0x3  }
0x3b: {  	[spmem:s9], [sflag:s7] =	dma.local @!p0 [hbm:s6], $0x100  }
0x3c: {  	_ =	swait.ge @!p0 [sflag:s10], $0x100  }
0x3d: {  	[sflag:s10] =	ssyncset.done @!p0 $0x0  }
0x3e: {  	s14 =	rddreg [dreg:$0x4];
	[sflag:s10] =	ssyncadd.s32 @!p0 $0xFFFFFF00  }
0x3f: {  	[tilespmem:s2], [sflag:$0x3] =	stream.linear.gather [hbm4b:s14+s2], $0x2700, $0x38;
	[tilespmem:$0x1EA00] =	vst v63  }
0x40: {  	_ =	swait.ge [sflag:s20], $0x2700  }
0x41: {  	[sflag:s20] =	ssyncset.done $0x0  }
0x42: {  	[sflag:s20] =	ssyncadd.s32 $0xFFFFD900  }
0x43: {  	[bflag:$0x0] =	sbarrier.arrive $0xFFFF  }
0x44: {  	s15 =	rddreg [dreg:$0x5]  }
0x45: {  	[tilespmem:s21], [sflag:$0x3] =	stream.linear.gather [hbm4b:s15+s2], $0x80, $0x38;
	[tilespmem:$0x1EA00] =	vst v63  }
0x46: {  	_ =	swait.ge [sflag:s20], $0x80  }
0x47: {  	[sflag:s20] =	ssyncset.done $0x0  }
0x48: {  	[sflag:s20] =	ssyncadd.s32 $0xFFFFFF80  }
0x49: {  	[tilespmem:s22], [sflag:$0x1] =	stream.indirect.gather [hbm4b:s3+s26], $0x80, s21, s26, $0xb8;
	[tilespmem:$0x1EA00] =	vst v63  }
0x4a: {  	s18 =	rddreg [dreg:$0x6]  }
0x4b: {  	[tilespmem:s23], [sflag:$0x3] =	stream.linear.gather [hbm4b:s18+s2], $0x80, $0x38;
	[tilespmem:$0x1EA00] =	vst v63  }
0x4c: {  	_ =	swait.ge [sflag:s20], $0x80  }
0x4d: {  	s11 =	simm.s32 $0x80;
	[sflag:s20] =	ssyncset.done $0x0  }
0x4e: {  	s10 =	simm.s32 $0x0;
	s18 =	smov.u32 s12;
	[sflag:s20] =	ssyncadd.s32 $0xFFFFFF80  }
0x4f: {  	[tilespmem:s24], [sflag:$0x2] =	stream.indirect.gather [hbm4b:s3+s26], $0x80, s23, s26, $0xb8;
	[tilespmem:$0x1EA00] =	vst v63  }
.LBB2_2:
0x50: {  	_ =	swait.ge [sflag:s25], $0x4000  }
0x51: {  	[sflag:s25] =	ssyncset.done $0x0  }
0x52: {  	[sflag:s25] =	ssyncadd.s32 $0xFFFFC000  }
0x53: {  	v0 =	vld [tilespmem:s11+$0xFFFFFF80];
	_ =	sdelay $0x4  }
0x54: {  	[tilespmem:$0x2800] =	vst v0  }
0x55: {  	v0 =	vld [tilespmem:s11+$0xFFFFFF90];
	_ =	sdelay $0x4  }
0x56: {  	[tilespmem:$0x2810] =	vst v0  }
0x57: {  	v0 =	vld [tilespmem:s11+$0xFFFFFFA0];
	_ =	sdelay $0x4  }
0x58: {  	[tilespmem:$0x2820] =	vst v0  }
0x59: {  	v0 =	vld [tilespmem:s11+$0xFFFFFFB0];
	_ =	sdelay $0x4  }
0x5a: {  	[tilespmem:$0x2830] =	vst v0  }
0x5b: {  	v0 =	vld [tilespmem:s11+$0xFFFFFFC0];
	_ =	sdelay $0x4  }
0x5c: {  	[tilespmem:$0x2840] =	vst v0  }
0x5d: {  	v0 =	vld [tilespmem:s11+$0xFFFFFFD0];
	_ =	sdelay $0x4  }
0x5e: {  	[tilespmem:$0x2850] =	vst v0  }
0x5f: {  	v0 =	vld [tilespmem:s11+$0xFFFFFFE0];
	_ =	sdelay $0x4  }
0x60: {  	[tilespmem:$0x2860] =	vst v0  }
0x61: {  	v0 =	vld [tilespmem:s11+$0xFFFFFFF0];
	_ =	sdelay $0x4  }
0x62: {  	[tilespmem:$0x2870] =	vst v0  }
0x63: {  	[spmem:s1] =	stream.indirect.scatter.add.f32 [tilespmem:s22], [sflag:$0x3], $0x80, s28, s26, $0xb8;
	[tilespmem:$0x1EA00] =	vst v63  }
0x64: {  	p1 =	seq.s32 s10, $0x4C0;
	_ =	swait.ge [sflag:s20], $0x4000  }
0x65: {  	s13 =	sshrl.u32 @!p1 s18, $0x3;
	s14 =	simm.s32 @!p1 $0x0;
	[sflag:s20] =	ssyncset.done $0x0  }
0x66: {  	s15 =	simm.s32 @!p1 $0x2700;
	s13 =	sadd.s32 @!p1 s5, s13;
	[sflag:s20] =	ssyncadd.s32 $0xFFFFC000  }
0x67: {  	[tilespmem:s15], [sflag:$0x3] =	stream.linear.gather @!p1 [hbm4b:s13+s14], $0x80, $0x38;
	[tilespmem:$0x1EA00] =	vst v63  }
0x68: {  	s13 =	simm.s32 @!p1 $0x3  }
0x69: {  	_ =	swait.ge @!p1 [sflag:s13], $0x80  }
0x6a: {  	[sflag:s13] =	ssyncset.done @!p1 $0x0  }
0x6b: {  	s14 =	simm.s32 @!p1 $0x2980;
	[sflag:s13] =	ssyncadd.s32 @!p1 $0xFFFFFF80;
	s13 =	simm.s32 @!p1 $0x80  }
0x6c: {  	[tilespmem:s14], [sflag:$0x1] =	stream.indirect.gather @!p1 [hbm4b:s3+s13], $0x80, s15, s13, $0xb8;
	[tilespmem:$0x1EA00] =	vst v63  }
0x6d: {  	_ =	swait.ge [sflag:s29], $0x4000  }
0x6e: {  	[sflag:s29] =	ssyncset.done $0x0  }
0x6f: {  	[sflag:s29] =	ssyncadd.s32 $0xFFFFC000  }
0x70: {  	v63 =	vld [tilespmem:s11+$0x0];
	_ =	sdelay $0x4  }
0x71: {  	[tilespmem:$0x2800] =	vst v63  }
0x72: {  	v0 =	vld [tilespmem:s11+$0x10];
	_ =	sdelay $0x4  }
0x73: {  	[tilespmem:$0x2810] =	vst v0  }
0x74: {  	v0 =	vld [tilespmem:s11+$0x20];
	_ =	sdelay $0x4  }
0x75: {  	[tilespmem:$0x2820] =	vst v0  }
0x76: {  	v0 =	vld [tilespmem:s11+$0x30];
	_ =	sdelay $0x4  }
0x77: {  	[tilespmem:$0x2830] =	vst v0  }
0x78: {  	v0 =	vld [tilespmem:s11+$0x40];
	_ =	sdelay $0x4  }
0x79: {  	[tilespmem:$0x2840] =	vst v0  }
0x7a: {  	v0 =	vld [tilespmem:s11+$0x50];
	_ =	sdelay $0x4  }
0x7b: {  	[tilespmem:$0x2850] =	vst v0  }
0x7c: {  	v0 =	vld [tilespmem:s11+$0x60];
	_ =	sdelay $0x4  }
0x7d: {  	[tilespmem:$0x2860] =	vst v0  }
0x7e: {  	v0 =	vld [tilespmem:s11+$0x70];
	_ =	sdelay $0x4  }
.Ltmp2:
0x7f: {  	[tilespmem:$0x2870] =	vst v0;
	(pc) =	sbr.rel @p1 .LBB2_4-.Ltmp2, $4  }
0x80: {  	[spmem:s1] =	stream.indirect.scatter.add.f32 [tilespmem:s24], [sflag:$0x3], $0x80, s28, s26, $0xb8;
	[tilespmem:$0x1EA00] =	vst v63  }
0x81: {  	_ =	swait.ge [sflag:s20], $0x4000  }
0x82: {  	[sflag:s20] =	ssyncset.done $0x0  }
0x83: {  	[sflag:s20] =	ssyncadd.s32 $0xFFFFC000  }
0x84: {  	s13 =	sadd.s32 s10, s17  }
0x85: {  	[tilespmem:s23], [sflag:$0x3] =	stream.linear.gather [hbm4b:s13+s2], $0x80, $0x38;
	[tilespmem:$0x1EA00] =	vst v63  }
.Ltmp3:
0x86: {  	_ = 	snop;
	(pc) =	sbr.rel .LBB2_2-.Ltmp3, $4  }
0x87: {  	_ =	swait.ge [sflag:s20], $0x80  }
0x88: {  	s10 =	sadd.s32 $0x20, s10;
	[sflag:s20] =	ssyncset.done $0x0  }
0x89: {  	s18 =	sadd.s32 $0x100, s18;
	s11 =	sadd.s32 $0x100, s11;
	[sflag:s20] =	ssyncadd.s32 $0xFFFFFF80  }
0x8a: {  	[tilespmem:s24], [sflag:$0x2] =	stream.indirect.gather [hbm4b:s3+s26], $0x80, s23, s26, $0xb8;
	[tilespmem:$0x1EA00] =	vst v63  }
.LBB2_5:
0x8b: {  	_ =	sfence.sel $0x180000  }
0x8c: {  	[bflag:$0x0] =	sbarrier.arrive $0xFFFF  }
0x8d: {  	_ =	strace $0x90000047  }
0x8e: {  	s0 =	stileid.u32;
	[bflag:$0x2] =	sbarrier.arrive $0xFFFF  }
0x8f: {  	p0 =	sne.s32 s0, $0x0;
	s0 =	rddreg [dreg:$0x2]  }
0x90: {  	s0 =	sadd.s32 @!p0 $0x100000, s0  }
0x91: {  	[sflag:s0] =	ssyncadd.tile.s32 @!p0 $0x1;
	_ =	shalt  }
.Lfunc_end2:
_tile_overlayer_lowered:
.L_overlay_start_2:
0x92: {  	(tag) =	ssettag $0x2  }
0x93: {  	s0 =	rddreg [dreg:$0x0];
	s2 =	stileid.u32  }
0x94: {  	s1 =	rddreg [dreg:$0x1];
	p0 =	sne.s32 s2, $0x0  }
0x95: {  	s3 =	rddreg [dreg:$0x2];
	[bflag:$0x3] =	sbarrier.arrive $0xFFFF;
	s2 =	simm.s32 @!p0 $0x1C03  }
0x96: {  	[timem:s3], [sflag:s2] =	dma.local @!p0 [hbm:s0], s1  }
0x97: {  	s0 =	simm.s32 @!p0 $0x3  }
0x98: {  	_ =	swait.ge @!p0 [sflag:s0], s1  }
0x99: {  	s1 =	ssub.s32 @!p0 $0x0, s1;
	[sflag:s0] =	ssyncset.done @!p0 $0x0  }
0x9a: {  	[sflag:s0] =	ssyncadd.s32 @!p0 s1  }
0x9b: {  	[bflag:$0x3] =	sbarrier.arrive $0xFFFF  }
0x9c: {  	_ =	shalt  }

</sc_bundles>
